<compile_context>
chip_gen: v7x
topology: tpu7x:2x2x1
jax: 0.10.2.dev20260603
libtpu: 0.0.44.dev20260713+nightly
codegen_flags: <defaults>
</compile_context>

<pallas_src>
import functools

import jax
import jax.numpy as jnp
from jax.experimental import pallas as pl
from jax.experimental.pallas import tpu as pltpu

TOPK = 16
LANE_TILE = 256


def _topk_mask_kernel(corr_ref, out_ref, *, topk):
    corr = corr_ref[0]
    m = jnp.abs(corr)
    rowsf = jax.lax.broadcasted_iota(jnp.int32, m.shape, 0).astype(jnp.float32)
    big = jnp.float32(1e9)
    mwork = m
    for _ in range(topk):
        v = jnp.max(mwork, axis=0, keepdims=True)
        rowm = jnp.where(mwork == v, rowsf, big)
        rpick = jnp.min(rowm, axis=0, keepdims=True)
        mwork = jnp.where(rowsf == rpick, -big, mwork)
    out_ref[0] = jnp.where(mwork < -big * 0.5, corr, 0.0)


def kernel(x):
    B, L, C = x.shape
    X_freq = jnp.fft.rfft(x, axis=1)
    AC_freq = X_freq * jnp.conj(X_freq)
    corr_time = jnp.fft.irfft(AC_freq, n=L, axis=1)
    k = min(TOPK, L)
    grid = (B, C // LANE_TILE)
    return pl.pallas_call(
        functools.partial(_topk_mask_kernel, topk=k),
        grid=grid,
        in_specs=[pl.BlockSpec((1, L, LANE_TILE), lambda b, j: (b, 0, j))],
        out_specs=pl.BlockSpec((1, L, LANE_TILE), lambda b, j: (b, 0, j)),
        out_shape=jax.ShapeDtypeStruct((B, L, C), corr_time.dtype),
        input_output_aliases={0: 0},
        compiler_params=pltpu.CompilerParams(
            dimension_semantics=("parallel", "parallel")),
    )(corr_time)

# --- scband reference (transcript-rebuilt; emitter-appended) ---
"""Pipeline reference for scband-auto-correlation-block-8538394984515 (READ-ONLY COPY).

The authoritative reference and input builder live on the scoring server;
editing this copy changes nothing except your own understanding.
"""

import jax, jax.numpy as jnp
import numpy as np

TOP_K = 16


def setup_inputs(seed: int = 0) -> dict:
    key = jax.random.key(seed)
    x = jax.random.normal(key, (4, 4096, 1024), dtype=jnp.float32)
    return {"x": x}


def reference(x):
    B, L, C = x.shape
    # Frequency-domain auto-correlation
    X_freq = jnp.fft.rfft(x, axis=1)
    AC_freq = X_freq * jnp.conj(X_freq)
    corr_time = jnp.fft.irfft(AC_freq, n=L, axis=1)  # [B, L, C], real
    mag = jnp.abs(corr_time)
    k = min(TOP_K, L)
    # top-k over the L (lag) axis independently for each (b, c)
    mag_t = jnp.transpose(mag, (0, 2, 1))  # [B, C, L]
    _, idx = jax.lax.top_k(mag_t, k)       # [B, C, k]
    b_idx = jnp.arange(B)[:, None, None]
    c_idx = jnp.arange(C)[None, :, None]
    mask_t = jnp.zeros((B, C, L), dtype=bool).at[b_idx, c_idx, idx].set(True)
    mask = jnp.transpose(mask_t, (0, 2, 1))  # [B, L, C]
    out = jnp.where(mask, corr_time, jnp.zeros_like(corr_time))
    return out

if __name__ == "__main__":
    import jax
    _d = setup_inputs()
    print(jax.jit(kernel)(*tuple(_d.values())))

</pallas_src>

<mosaic_0001>
module attributes {stable_mosaic.version = 14 : i64} {
  func.func @_topk_mask_kernel(%arg0: i32, %arg1: i32, %arg2: memref<1x4096x256xf32, #tpu.memory_space<vmem>>, %arg3: memref<1x4096x256xf32, #tpu.memory_space<vmem>>) attributes {dimension_semantics = [#tpu.dimension_semantics<parallel>, #tpu.dimension_semantics<parallel>], iteration_bounds = array<i64: 4, 4>, scalar_prefetch = 0 : i64, scratch_operands = 0 : i64, tpu.core_type = #tpu.core_type<tc>, window_params = [{transform_indices = @transform_0, window_bounds = array<i64: 1, 4096, 256>}, {transform_indices = @transform_1, window_bounds = array<i64: 1, 4096, 256>}]} {
    %get3A = arith.constant 0 : index
    %get3A_0 = arith.constant 0 : index
    %get3A_1 = arith.constant 0 : index
    %get3A_2 = vector.load %arg2[%get3A, %get3A_0, %get3A_1] : memref<1x4096x256xf32, #tpu.memory_space<vmem>>, vector<1x4096x256xf32>
    %get3A_3 = vector.shape_cast %get3A_2 : vector<1x4096x256xf32> to vector<4096x256xf32>
    %abs3A = math.absf %get3A_3 : vector<4096x256xf32>
    %iota3A = tpu.iota {dimensions = array<i32: 0>} : vector<4096x256xi32>
    %convert_element_type3A = arith.sitofp %iota3A : vector<4096x256xi32> to vector<4096x256xf32>
    %reduce_max3A = arith.constant dense<0xFF800000> : vector<256xf32>
    %reduce_max3A_4 = vector.multi_reduction <maximumf>, %abs3A, %reduce_max3A [0] : vector<4096x256xf32> to vector<256xf32>
    %broadcast_in_dim3A = vector.shape_cast %reduce_max3A_4 : vector<256xf32> to vector<1x256xf32>
    %eq3A = vector.broadcast %broadcast_in_dim3A : vector<1x256xf32> to vector<4096x256xf32>
    %eq3A_5 = arith.cmpf oeq, %abs3A, %eq3A : vector<4096x256xf32>
    %jit3A = arith.constant 1.000000e+09 : f32
    %broadcast_in_dim3A_6 = vector.broadcast %jit3A : f32 to vector<4096x256xf32>
    %select_n3A = arith.select %eq3A_5, %convert_element_type3A, %broadcast_in_dim3A_6 : vector<4096x256xi1>, vector<4096x256xf32>
    %reduce_min3A = arith.constant dense<0x7F800000> : vector<256xf32>
    %reduce_min3A_7 = vector.multi_reduction <minimumf>, %select_n3A, %reduce_min3A [0] : vector<4096x256xf32> to vector<256xf32>
    %broadcast_in_dim3A_8 = vector.shape_cast %reduce_min3A_7 : vector<256xf32> to vector<1x256xf32>
    %eq3A_9 = vector.broadcast %broadcast_in_dim3A_8 : vector<1x256xf32> to vector<4096x256xf32>
    %eq3A_10 = arith.cmpf oeq, %convert_element_type3A, %eq3A_9 : vector<4096x256xf32>
    %neg3A = arith.constant 0.000000e+00 : f32
    %neg3A_11 = arith.constant 1.000000e+09 : f32
    %neg3A_12 = arith.subf %neg3A, %neg3A_11 : f32
    %broadcast_in_dim3A_13 = vector.broadcast %neg3A_12 : f32 to vector<4096x256xf32>
    %select_n3A_14 = arith.select %eq3A_10, %broadcast_in_dim3A_13, %abs3A : vector<4096x256xi1>, vector<4096x256xf32>
    %reduce_max3A_15 = arith.constant dense<0xFF800000> : vector<256xf32>
    %reduce_max3A_16 = vector.multi_reduction <maximumf>, %select_n3A_14, %reduce_max3A_15 [0] : vector<4096x256xf32> to vector<256xf32>
    %broadcast_in_dim3A_17 = vector.shape_cast %reduce_max3A_16 : vector<256xf32> to vector<1x256xf32>
    %eq3A_18 = vector.broadcast %broadcast_in_dim3A_17 : vector<1x256xf32> to vector<4096x256xf32>
    %eq3A_19 = arith.cmpf oeq, %select_n3A_14, %eq3A_18 : vector<4096x256xf32>
    %jit3A_20 = arith.constant 1.000000e+09 : f32
    %broadcast_in_dim3A_21 = vector.broadcast %jit3A_20 : f32 to vector<4096x256xf32>
    %select_n3A_22 = arith.select %eq3A_19, %convert_element_type3A, %broadcast_in_dim3A_21 : vector<4096x256xi1>, vector<4096x256xf32>
    %reduce_min3A_23 = arith.constant dense<0x7F800000> : vector<256xf32>
    %reduce_min3A_24 = vector.multi_reduction <minimumf>, %select_n3A_22, %reduce_min3A_23 [0] : vector<4096x256xf32> to vector<256xf32>
    %broadcast_in_dim3A_25 = vector.shape_cast %reduce_min3A_24 : vector<256xf32> to vector<1x256xf32>
    %eq3A_26 = vector.broadcast %broadcast_in_dim3A_25 : vector<1x256xf32> to vector<4096x256xf32>
    %eq3A_27 = arith.cmpf oeq, %convert_element_type3A, %eq3A_26 : vector<4096x256xf32>
    %neg3A_28 = arith.constant 0.000000e+00 : f32
    %neg3A_29 = arith.constant 1.000000e+09 : f32
    %neg3A_30 = arith.subf %neg3A_28, %neg3A_29 : f32
    %broadcast_in_dim3A_31 = vector.broadcast %neg3A_30 : f32 to vector<4096x256xf32>
    %select_n3A_32 = arith.select %eq3A_27, %broadcast_in_dim3A_31, %select_n3A_14 : vector<4096x256xi1>, vector<4096x256xf32>
    %reduce_max3A_33 = arith.constant dense<0xFF800000> : vector<256xf32>
    %reduce_max3A_34 = vector.multi_reduction <maximumf>, %select_n3A_32, %reduce_max3A_33 [0] : vector<4096x256xf32> to vector<256xf32>
    %broadcast_in_dim3A_35 = vector.shape_cast %reduce_max3A_34 : vector<256xf32> to vector<1x256xf32>
    %eq3A_36 = vector.broadcast %broadcast_in_dim3A_35 : vector<1x256xf32> to vector<4096x256xf32>
    %eq3A_37 = arith.cmpf oeq, %select_n3A_32, %eq3A_36 : vector<4096x256xf32>
    %jit3A_38 = arith.constant 1.000000e+09 : f32
    %broadcast_in_dim3A_39 = vector.broadcast %jit3A_38 : f32 to vector<4096x256xf32>
    %select_n3A_40 = arith.select %eq3A_37, %convert_element_type3A, %broadcast_in_dim3A_39 : vector<4096x256xi1>, vector<4096x256xf32>
    %reduce_min3A_41 = arith.constant dense<0x7F800000> : vector<256xf32>
    %reduce_min3A_42 = vector.multi_reduction <minimumf>, %select_n3A_40, %reduce_min3A_41 [0] : vector<4096x256xf32> to vector<256xf32>
    %broadcast_in_dim3A_43 = vector.shape_cast %reduce_min3A_42 : vector<256xf32> to vector<1x256xf32>
    %eq3A_44 = vector.broadcast %broadcast_in_dim3A_43 : vector<1x256xf32> to vector<4096x256xf32>
    %eq3A_45 = arith.cmpf oeq, %convert_element_type3A, %eq3A_44 : vector<4096x256xf32>
    %neg3A_46 = arith.constant 0.000000e+00 : f32
    %neg3A_47 = arith.constant 1.000000e+09 : f32
    %neg3A_48 = arith.subf %neg3A_46, %neg3A_47 : f32
    %broadcast_in_dim3A_49 = vector.broadcast %neg3A_48 : f32 to vector<4096x256xf32>
    %select_n3A_50 = arith.select %eq3A_45, %broadcast_in_dim3A_49, %select_n3A_32 : vector<4096x256xi1>, vector<4096x256xf32>
    %reduce_max3A_51 = arith.constant dense<0xFF800000> : vector<256xf32>
    %reduce_max3A_52 = vector.multi_reduction <maximumf>, %select_n3A_50, %reduce_max3A_51 [0] : vector<4096x256xf32> to vector<256xf32>
    %broadcast_in_dim3A_53 = vector.shape_cast %reduce_max3A_52 : vector<256xf32> to vector<1x256xf32>
    %eq3A_54 = vector.broadcast %broadcast_in_dim3A_53 : vector<1x256xf32> to vector<4096x256xf32>
    %eq3A_55 = arith.cmpf oeq, %select_n3A_50, %eq3A_54 : vector<4096x256xf32>
    %jit3A_56 = arith.constant 1.000000e+09 : f32
    %broadcast_in_dim3A_57 = vector.broadcast %jit3A_56 : f32 to vector<4096x256xf32>
    %select_n3A_58 = arith.select %eq3A_55, %convert_element_type3A, %broadcast_in_dim3A_57 : vector<4096x256xi1>, vector<4096x256xf32>
    %reduce_min3A_59 = arith.constant dense<0x7F800000> : vector<256xf32>
    %reduce_min3A_60 = vector.multi_reduction <minimumf>, %select_n3A_58, %reduce_min3A_59 [0] : vector<4096x256xf32> to vector<256xf32>
    %broadcast_in_dim3A_61 = vector.shape_cast %reduce_min3A_60 : vector<256xf32> to vector<1x256xf32>
    %eq3A_62 = vector.broadcast %broadcast_in_dim3A_61 : vector<1x256xf32> to vector<4096x256xf32>
    %eq3A_63 = arith.cmpf oeq, %convert_element_type3A, %eq3A_62 : vector<4096x256xf32>
    %neg3A_64 = arith.constant 0.000000e+00 : f32
    %neg3A_65 = arith.constant 1.000000e+09 : f32
    %neg3A_66 = arith.subf %neg3A_64, %neg3A_65 : f32
    %broadcast_in_dim3A_67 = vector.broadcast %neg3A_66 : f32 to vector<4096x256xf32>
    %select_n3A_68 = arith.select %eq3A_63, %broadcast_in_dim3A_67, %select_n3A_50 : vector<4096x256xi1>, vector<4096x256xf32>
    %reduce_max3A_69 = arith.constant dense<0xFF800000> : vector<256xf32>
    %reduce_max3A_70 = vector.multi_reduction <maximumf>, %select_n3A_68, %reduce_max3A_69 [0] : vector<4096x256xf32> to vector<256xf32>
    %broadcast_in_dim3A_71 = vector.shape_cast %reduce_max3A_70 : vector<256xf32> to vector<1x256xf32>
    %eq3A_72 = vector.broadcast %broadcast_in_dim3A_71 : vector<1x256xf32> to vector<4096x256xf32>
    %eq3A_73 = arith.cmpf oeq, %select_n3A_68, %eq3A_72 : vector<4096x256xf32>
    %jit3A_74 = arith.constant 1.000000e+09 : f32
    %broadcast_in_dim3A_75 = vector.broadcast %jit3A_74 : f32 to vector<4096x256xf32>
    %select_n3A_76 = arith.select %eq3A_73, %convert_element_type3A, %broadcast_in_dim3A_75 : vector<4096x256xi1>, vector<4096x256xf32>
    %reduce_min3A_77 = arith.constant dense<0x7F800000> : vector<256xf32>
    %reduce_min3A_78 = vector.multi_reduction <minimumf>, %select_n3A_76, %reduce_min3A_77 [0] : vector<4096x256xf32> to vector<256xf32>
    %broadcast_in_dim3A_79 = vector.shape_cast %reduce_min3A_78 : vector<256xf32> to vector<1x256xf32>
    %eq3A_80 = vector.broadcast %broadcast_in_dim3A_79 : vector<1x256xf32> to vector<4096x256xf32>
    %eq3A_81 = arith.cmpf oeq, %convert_element_type3A, %eq3A_80 : vector<4096x256xf32>
    %neg3A_82 = arith.constant 0.000000e+00 : f32
    %neg3A_83 = arith.constant 1.000000e+09 : f32
    %neg3A_84 = arith.subf %neg3A_82, %neg3A_83 : f32
    %broadcast_in_dim3A_85 = vector.broadcast %neg3A_84 : f32 to vector<4096x256xf32>
    %select_n3A_86 = arith.select %eq3A_81, %broadcast_in_dim3A_85, %select_n3A_68 : vector<4096x256xi1>, vector<4096x256xf32>
    %reduce_max3A_87 = arith.constant dense<0xFF800000> : vector<256xf32>
    %reduce_max3A_88 = vector.multi_reduction <maximumf>, %select_n3A_86, %reduce_max3A_87 [0] : vector<4096x256xf32> to vector<256xf32>
    %broadcast_in_dim3A_89 = vector.shape_cast %reduce_max3A_88 : vector<256xf32> to vector<1x256xf32>
    %eq3A_90 = vector.broadcast %broadcast_in_dim3A_89 : vector<1x256xf32> to vector<4096x256xf32>
    %eq3A_91 = arith.cmpf oeq, %select_n3A_86, %eq3A_90 : vector<4096x256xf32>
    %jit3A_92 = arith.constant 1.000000e+09 : f32
    %broadcast_in_dim3A_93 = vector.broadcast %jit3A_92 : f32 to vector<4096x256xf32>
    %select_n3A_94 = arith.select %eq3A_91, %convert_element_type3A, %broadcast_in_dim3A_93 : vector<4096x256xi1>, vector<4096x256xf32>
    %reduce_min3A_95 = arith.constant dense<0x7F800000> : vector<256xf32>
    %reduce_min3A_96 = vector.multi_reduction <minimumf>, %select_n3A_94, %reduce_min3A_95 [0] : vector<4096x256xf32> to vector<256xf32>
    %broadcast_in_dim3A_97 = vector.shape_cast %reduce_min3A_96 : vector<256xf32> to vector<1x256xf32>
    %eq3A_98 = vector.broadcast %broadcast_in_dim3A_97 : vector<1x256xf32> to vector<4096x256xf32>
    %eq3A_99 = arith.cmpf oeq, %convert_element_type3A, %eq3A_98 : vector<4096x256xf32>
    %neg3A_100 = arith.constant 0.000000e+00 : f32
    %neg3A_101 = arith.constant 1.000000e+09 : f32
    %neg3A_102 = arith.subf %neg3A_100, %neg3A_101 : f32
    %broadcast_in_dim3A_103 = vector.broadcast %neg3A_102 : f32 to vector<4096x256xf32>
    %select_n3A_104 = arith.select %eq3A_99, %broadcast_in_dim3A_103, %select_n3A_86 : vector<4096x256xi1>, vector<4096x256xf32>
    %reduce_max3A_105 = arith.constant dense<0xFF800000> : vector<256xf32>
    %reduce_max3A_106 = vector.multi_reduction <maximumf>, %select_n3A_104, %reduce_max3A_105 [0] : vector<4096x256xf32> to vector<256xf32>
    %broadcast_in_dim3A_107 = vector.shape_cast %reduce_max3A_106 : vector<256xf32> to vector<1x256xf32>
    %eq3A_108 = vector.broadcast %broadcast_in_dim3A_107 : vector<1x256xf32> to vector<4096x256xf32>
    %eq3A_109 = arith.cmpf oeq, %select_n3A_104, %eq3A_108 : vector<4096x256xf32>
    %jit3A_110 = arith.constant 1.000000e+09 : f32
    %broadcast_in_dim3A_111 = vector.broadcast %jit3A_110 : f32 to vector<4096x256xf32>
    %select_n3A_112 = arith.select %eq3A_109, %convert_element_type3A, %broadcast_in_dim3A_111 : vector<4096x256xi1>, vector<4096x256xf32>
    %reduce_min3A_113 = arith.constant dense<0x7F800000> : vector<256xf32>
    %reduce_min3A_114 = vector.multi_reduction <minimumf>, %select_n3A_112, %reduce_min3A_113 [0] : vector<4096x256xf32> to vector<256xf32>
    %broadcast_in_dim3A_115 = vector.shape_cast %reduce_min3A_114 : vector<256xf32> to vector<1x256xf32>
    %eq3A_116 = vector.broadcast %broadcast_in_dim3A_115 : vector<1x256xf32> to vector<4096x256xf32>
    %eq3A_117 = arith.cmpf oeq, %convert_element_type3A, %eq3A_116 : vector<4096x256xf32>
    %neg3A_118 = arith.constant 0.000000e+00 : f32
    %neg3A_119 = arith.constant 1.000000e+09 : f32
    %neg3A_120 = arith.subf %neg3A_118, %neg3A_119 : f32
    %broadcast_in_dim3A_121 = vector.broadcast %neg3A_120 : f32 to vector<4096x256xf32>
    %select_n3A_122 = arith.select %eq3A_117, %broadcast_in_dim3A_121, %select_n3A_104 : vector<4096x256xi1>, vector<4096x256xf32>
    %reduce_max3A_123 = arith.constant dense<0xFF800000> : vector<256xf32>
    %reduce_max3A_124 = vector.multi_reduction <maximumf>, %select_n3A_122, %reduce_max3A_123 [0] : vector<4096x256xf32> to vector<256xf32>
    %broadcast_in_dim3A_125 = vector.shape_cast %reduce_max3A_124 : vector<256xf32> to vector<1x256xf32>
    %eq3A_126 = vector.broadcast %broadcast_in_dim3A_125 : vector<1x256xf32> to vector<4096x256xf32>
    %eq3A_127 = arith.cmpf oeq, %select_n3A_122, %eq3A_126 : vector<4096x256xf32>
    %jit3A_128 = arith.constant 1.000000e+09 : f32
    %broadcast_in_dim3A_129 = vector.broadcast %jit3A_128 : f32 to vector<4096x256xf32>
    %select_n3A_130 = arith.select %eq3A_127, %convert_element_type3A, %broadcast_in_dim3A_129 : vector<4096x256xi1>, vector<4096x256xf32>
    %reduce_min3A_131 = arith.constant dense<0x7F800000> : vector<256xf32>
    %reduce_min3A_132 = vector.multi_reduction <minimumf>, %select_n3A_130, %reduce_min3A_131 [0] : vector<4096x256xf32> to vector<256xf32>
    %broadcast_in_dim3A_133 = vector.shape_cast %reduce_min3A_132 : vector<256xf32> to vector<1x256xf32>
    %eq3A_134 = vector.broadcast %broadcast_in_dim3A_133 : vector<1x256xf32> to vector<4096x256xf32>
    %eq3A_135 = arith.cmpf oeq, %convert_element_type3A, %eq3A_134 : vector<4096x256xf32>
    %neg3A_136 = arith.constant 0.000000e+00 : f32
    %neg3A_137 = arith.constant 1.000000e+09 : f32
    %neg3A_138 = arith.subf %neg3A_136, %neg3A_137 : f32
    %broadcast_in_dim3A_139 = vector.broadcast %neg3A_138 : f32 to vector<4096x256xf32>
    %select_n3A_140 = arith.select %eq3A_135, %broadcast_in_dim3A_139, %select_n3A_122 : vector<4096x256xi1>, vector<4096x256xf32>
    %reduce_max3A_141 = arith.constant dense<0xFF800000> : vector<256xf32>
    %reduce_max3A_142 = vector.multi_reduction <maximumf>, %select_n3A_140, %reduce_max3A_141 [0] : vector<4096x256xf32> to vector<256xf32>
    %broadcast_in_dim3A_143 = vector.shape_cast %reduce_max3A_142 : vector<256xf32> to vector<1x256xf32>
    %eq3A_144 = vector.broadcast %broadcast_in_dim3A_143 : vector<1x256xf32> to vector<4096x256xf32>
    %eq3A_145 = arith.cmpf oeq, %select_n3A_140, %eq3A_144 : vector<4096x256xf32>
    %jit3A_146 = arith.constant 1.000000e+09 : f32
    %broadcast_in_dim3A_147 = vector.broadcast %jit3A_146 : f32 to vector<4096x256xf32>
    %select_n3A_148 = arith.select %eq3A_145, %convert_element_type3A, %broadcast_in_dim3A_147 : vector<4096x256xi1>, vector<4096x256xf32>
    %reduce_min3A_149 = arith.constant dense<0x7F800000> : vector<256xf32>
    %reduce_min3A_150 = vector.multi_reduction <minimumf>, %select_n3A_148, %reduce_min3A_149 [0] : vector<4096x256xf32> to vector<256xf32>
    %broadcast_in_dim3A_151 = vector.shape_cast %reduce_min3A_150 : vector<256xf32> to vector<1x256xf32>
    %eq3A_152 = vector.broadcast %broadcast_in_dim3A_151 : vector<1x256xf32> to vector<4096x256xf32>
    %eq3A_153 = arith.cmpf oeq, %convert_element_type3A, %eq3A_152 : vector<4096x256xf32>
    %neg3A_154 = arith.constant 0.000000e+00 : f32
    %neg3A_155 = arith.constant 1.000000e+09 : f32
    %neg3A_156 = arith.subf %neg3A_154, %neg3A_155 : f32
    %broadcast_in_dim3A_157 = vector.broadcast %neg3A_156 : f32 to vector<4096x256xf32>
    %select_n3A_158 = arith.select %eq3A_153, %broadcast_in_dim3A_157, %select_n3A_140 : vector<4096x256xi1>, vector<4096x256xf32>
    %reduce_max3A_159 = arith.constant dense<0xFF800000> : vector<256xf32>
    %reduce_max3A_160 = vector.multi_reduction <maximumf>, %select_n3A_158, %reduce_max3A_159 [0] : vector<4096x256xf32> to vector<256xf32>
    %broadcast_in_dim3A_161 = vector.shape_cast %reduce_max3A_160 : vector<256xf32> to vector<1x256xf32>
    %eq3A_162 = vector.broadcast %broadcast_in_dim3A_161 : vector<1x256xf32> to vector<4096x256xf32>
    %eq3A_163 = arith.cmpf oeq, %select_n3A_158, %eq3A_162 : vector<4096x256xf32>
    %jit3A_164 = arith.constant 1.000000e+09 : f32
    %broadcast_in_dim3A_165 = vector.broadcast %jit3A_164 : f32 to vector<4096x256xf32>
    %select_n3A_166 = arith.select %eq3A_163, %convert_element_type3A, %broadcast_in_dim3A_165 : vector<4096x256xi1>, vector<4096x256xf32>
    %reduce_min3A_167 = arith.constant dense<0x7F800000> : vector<256xf32>
    %reduce_min3A_168 = vector.multi_reduction <minimumf>, %select_n3A_166, %reduce_min3A_167 [0] : vector<4096x256xf32> to vector<256xf32>
    %broadcast_in_dim3A_169 = vector.shape_cast %reduce_min3A_168 : vector<256xf32> to vector<1x256xf32>
    %eq3A_170 = vector.broadcast %broadcast_in_dim3A_169 : vector<1x256xf32> to vector<4096x256xf32>
    %eq3A_171 = arith.cmpf oeq, %convert_element_type3A, %eq3A_170 : vector<4096x256xf32>
    %neg3A_172 = arith.constant 0.000000e+00 : f32
    %neg3A_173 = arith.constant 1.000000e+09 : f32
    %neg3A_174 = arith.subf %neg3A_172, %neg3A_173 : f32
    %broadcast_in_dim3A_175 = vector.broadcast %neg3A_174 : f32 to vector<4096x256xf32>
    %select_n3A_176 = arith.select %eq3A_171, %broadcast_in_dim3A_175, %select_n3A_158 : vector<4096x256xi1>, vector<4096x256xf32>
    %reduce_max3A_177 = arith.constant dense<0xFF800000> : vector<256xf32>
    %reduce_max3A_178 = vector.multi_reduction <maximumf>, %select_n3A_176, %reduce_max3A_177 [0] : vector<4096x256xf32> to vector<256xf32>
    %broadcast_in_dim3A_179 = vector.shape_cast %reduce_max3A_178 : vector<256xf32> to vector<1x256xf32>
    %eq3A_180 = vector.broadcast %broadcast_in_dim3A_179 : vector<1x256xf32> to vector<4096x256xf32>
    %eq3A_181 = arith.cmpf oeq, %select_n3A_176, %eq3A_180 : vector<4096x256xf32>
    %jit3A_182 = arith.constant 1.000000e+09 : f32
    %broadcast_in_dim3A_183 = vector.broadcast %jit3A_182 : f32 to vector<4096x256xf32>
    %select_n3A_184 = arith.select %eq3A_181, %convert_element_type3A, %broadcast_in_dim3A_183 : vector<4096x256xi1>, vector<4096x256xf32>
    %reduce_min3A_185 = arith.constant dense<0x7F800000> : vector<256xf32>
    %reduce_min3A_186 = vector.multi_reduction <minimumf>, %select_n3A_184, %reduce_min3A_185 [0] : vector<4096x256xf32> to vector<256xf32>
    %broadcast_in_dim3A_187 = vector.shape_cast %reduce_min3A_186 : vector<256xf32> to vector<1x256xf32>
    %eq3A_188 = vector.broadcast %broadcast_in_dim3A_187 : vector<1x256xf32> to vector<4096x256xf32>
    %eq3A_189 = arith.cmpf oeq, %convert_element_type3A, %eq3A_188 : vector<4096x256xf32>
    %neg3A_190 = arith.constant 0.000000e+00 : f32
    %neg3A_191 = arith.constant 1.000000e+09 : f32
    %neg3A_192 = arith.subf %neg3A_190, %neg3A_191 : f32
    %broadcast_in_dim3A_193 = vector.broadcast %neg3A_192 : f32 to vector<4096x256xf32>
    %select_n3A_194 = arith.select %eq3A_189, %broadcast_in_dim3A_193, %select_n3A_176 : vector<4096x256xi1>, vector<4096x256xf32>
    %reduce_max3A_195 = arith.constant dense<0xFF800000> : vector<256xf32>
    %reduce_max3A_196 = vector.multi_reduction <maximumf>, %select_n3A_194, %reduce_max3A_195 [0] : vector<4096x256xf32> to vector<256xf32>
    %broadcast_in_dim3A_197 = vector.shape_cast %reduce_max3A_196 : vector<256xf32> to vector<1x256xf32>
    %eq3A_198 = vector.broadcast %broadcast_in_dim3A_197 : vector<1x256xf32> to vector<4096x256xf32>
    %eq3A_199 = arith.cmpf oeq, %select_n3A_194, %eq3A_198 : vector<4096x256xf32>
    %jit3A_200 = arith.constant 1.000000e+09 : f32
    %broadcast_in_dim3A_201 = vector.broadcast %jit3A_200 : f32 to vector<4096x256xf32>
    %select_n3A_202 = arith.select %eq3A_199, %convert_element_type3A, %broadcast_in_dim3A_201 : vector<4096x256xi1>, vector<4096x256xf32>
    %reduce_min3A_203 = arith.constant dense<0x7F800000> : vector<256xf32>
    %reduce_min3A_204 = vector.multi_reduction <minimumf>, %select_n3A_202, %reduce_min3A_203 [0] : vector<4096x256xf32> to vector<256xf32>
    %broadcast_in_dim3A_205 = vector.shape_cast %reduce_min3A_204 : vector<256xf32> to vector<1x256xf32>
    %eq3A_206 = vector.broadcast %broadcast_in_dim3A_205 : vector<1x256xf32> to vector<4096x256xf32>
    %eq3A_207 = arith.cmpf oeq, %convert_element_type3A, %eq3A_206 : vector<4096x256xf32>
    %neg3A_208 = arith.constant 0.000000e+00 : f32
    %neg3A_209 = arith.constant 1.000000e+09 : f32
    %neg3A_210 = arith.subf %neg3A_208, %neg3A_209 : f32
    %broadcast_in_dim3A_211 = vector.broadcast %neg3A_210 : f32 to vector<4096x256xf32>
    %select_n3A_212 = arith.select %eq3A_207, %broadcast_in_dim3A_211, %select_n3A_194 : vector<4096x256xi1>, vector<4096x256xf32>
    %reduce_max3A_213 = arith.constant dense<0xFF800000> : vector<256xf32>
    %reduce_max3A_214 = vector.multi_reduction <maximumf>, %select_n3A_212, %reduce_max3A_213 [0] : vector<4096x256xf32> to vector<256xf32>
    %broadcast_in_dim3A_215 = vector.shape_cast %reduce_max3A_214 : vector<256xf32> to vector<1x256xf32>
    %eq3A_216 = vector.broadcast %broadcast_in_dim3A_215 : vector<1x256xf32> to vector<4096x256xf32>
    %eq3A_217 = arith.cmpf oeq, %select_n3A_212, %eq3A_216 : vector<4096x256xf32>
    %jit3A_218 = arith.constant 1.000000e+09 : f32
    %broadcast_in_dim3A_219 = vector.broadcast %jit3A_218 : f32 to vector<4096x256xf32>
    %select_n3A_220 = arith.select %eq3A_217, %convert_element_type3A, %broadcast_in_dim3A_219 : vector<4096x256xi1>, vector<4096x256xf32>
    %reduce_min3A_221 = arith.constant dense<0x7F800000> : vector<256xf32>
    %reduce_min3A_222 = vector.multi_reduction <minimumf>, %select_n3A_220, %reduce_min3A_221 [0] : vector<4096x256xf32> to vector<256xf32>
    %broadcast_in_dim3A_223 = vector.shape_cast %reduce_min3A_222 : vector<256xf32> to vector<1x256xf32>
    %eq3A_224 = vector.broadcast %broadcast_in_dim3A_223 : vector<1x256xf32> to vector<4096x256xf32>
    %eq3A_225 = arith.cmpf oeq, %convert_element_type3A, %eq3A_224 : vector<4096x256xf32>
    %neg3A_226 = arith.constant 0.000000e+00 : f32
    %neg3A_227 = arith.constant 1.000000e+09 : f32
    %neg3A_228 = arith.subf %neg3A_226, %neg3A_227 : f32
    %broadcast_in_dim3A_229 = vector.broadcast %neg3A_228 : f32 to vector<4096x256xf32>
    %select_n3A_230 = arith.select %eq3A_225, %broadcast_in_dim3A_229, %select_n3A_212 : vector<4096x256xi1>, vector<4096x256xf32>
    %reduce_max3A_231 = arith.constant dense<0xFF800000> : vector<256xf32>
    %reduce_max3A_232 = vector.multi_reduction <maximumf>, %select_n3A_230, %reduce_max3A_231 [0] : vector<4096x256xf32> to vector<256xf32>
    %broadcast_in_dim3A_233 = vector.shape_cast %reduce_max3A_232 : vector<256xf32> to vector<1x256xf32>
    %eq3A_234 = vector.broadcast %broadcast_in_dim3A_233 : vector<1x256xf32> to vector<4096x256xf32>
    %eq3A_235 = arith.cmpf oeq, %select_n3A_230, %eq3A_234 : vector<4096x256xf32>
    %jit3A_236 = arith.constant 1.000000e+09 : f32
    %broadcast_in_dim3A_237 = vector.broadcast %jit3A_236 : f32 to vector<4096x256xf32>
    %select_n3A_238 = arith.select %eq3A_235, %convert_element_type3A, %broadcast_in_dim3A_237 : vector<4096x256xi1>, vector<4096x256xf32>
    %reduce_min3A_239 = arith.constant dense<0x7F800000> : vector<256xf32>
    %reduce_min3A_240 = vector.multi_reduction <minimumf>, %select_n3A_238, %reduce_min3A_239 [0] : vector<4096x256xf32> to vector<256xf32>
    %broadcast_in_dim3A_241 = vector.shape_cast %reduce_min3A_240 : vector<256xf32> to vector<1x256xf32>
    %eq3A_242 = vector.broadcast %broadcast_in_dim3A_241 : vector<1x256xf32> to vector<4096x256xf32>
    %eq3A_243 = arith.cmpf oeq, %convert_element_type3A, %eq3A_242 : vector<4096x256xf32>
    %neg3A_244 = arith.constant 0.000000e+00 : f32
    %neg3A_245 = arith.constant 1.000000e+09 : f32
    %neg3A_246 = arith.subf %neg3A_244, %neg3A_245 : f32
    %broadcast_in_dim3A_247 = vector.broadcast %neg3A_246 : f32 to vector<4096x256xf32>
    %select_n3A_248 = arith.select %eq3A_243, %broadcast_in_dim3A_247, %select_n3A_230 : vector<4096x256xi1>, vector<4096x256xf32>
    %reduce_max3A_249 = arith.constant dense<0xFF800000> : vector<256xf32>
    %reduce_max3A_250 = vector.multi_reduction <maximumf>, %select_n3A_248, %reduce_max3A_249 [0] : vector<4096x256xf32> to vector<256xf32>
    %broadcast_in_dim3A_251 = vector.shape_cast %reduce_max3A_250 : vector<256xf32> to vector<1x256xf32>
    %eq3A_252 = vector.broadcast %broadcast_in_dim3A_251 : vector<1x256xf32> to vector<4096x256xf32>
    %eq3A_253 = arith.cmpf oeq, %select_n3A_248, %eq3A_252 : vector<4096x256xf32>
    %jit3A_254 = arith.constant 1.000000e+09 : f32
    %broadcast_in_dim3A_255 = vector.broadcast %jit3A_254 : f32 to vector<4096x256xf32>
    %select_n3A_256 = arith.select %eq3A_253, %convert_element_type3A, %broadcast_in_dim3A_255 : vector<4096x256xi1>, vector<4096x256xf32>
    %reduce_min3A_257 = arith.constant dense<0x7F800000> : vector<256xf32>
    %reduce_min3A_258 = vector.multi_reduction <minimumf>, %select_n3A_256, %reduce_min3A_257 [0] : vector<4096x256xf32> to vector<256xf32>
    %broadcast_in_dim3A_259 = vector.shape_cast %reduce_min3A_258 : vector<256xf32> to vector<1x256xf32>
    %eq3A_260 = vector.broadcast %broadcast_in_dim3A_259 : vector<1x256xf32> to vector<4096x256xf32>
    %eq3A_261 = arith.cmpf oeq, %convert_element_type3A, %eq3A_260 : vector<4096x256xf32>
    %neg3A_262 = arith.constant 0.000000e+00 : f32
    %neg3A_263 = arith.constant 1.000000e+09 : f32
    %neg3A_264 = arith.subf %neg3A_262, %neg3A_263 : f32
    %broadcast_in_dim3A_265 = vector.broadcast %neg3A_264 : f32 to vector<4096x256xf32>
    %select_n3A_266 = arith.select %eq3A_261, %broadcast_in_dim3A_265, %select_n3A_248 : vector<4096x256xi1>, vector<4096x256xf32>
    %reduce_max3A_267 = arith.constant dense<0xFF800000> : vector<256xf32>
    %reduce_max3A_268 = vector.multi_reduction <maximumf>, %select_n3A_266, %reduce_max3A_267 [0] : vector<4096x256xf32> to vector<256xf32>
    %broadcast_in_dim3A_269 = vector.shape_cast %reduce_max3A_268 : vector<256xf32> to vector<1x256xf32>
    %eq3A_270 = vector.broadcast %broadcast_in_dim3A_269 : vector<1x256xf32> to vector<4096x256xf32>
    %eq3A_271 = arith.cmpf oeq, %select_n3A_266, %eq3A_270 : vector<4096x256xf32>
    %jit3A_272 = arith.constant 1.000000e+09 : f32
    %broadcast_in_dim3A_273 = vector.broadcast %jit3A_272 : f32 to vector<4096x256xf32>
    %select_n3A_274 = arith.select %eq3A_271, %convert_element_type3A, %broadcast_in_dim3A_273 : vector<4096x256xi1>, vector<4096x256xf32>
    %reduce_min3A_275 = arith.constant dense<0x7F800000> : vector<256xf32>
    %reduce_min3A_276 = vector.multi_reduction <minimumf>, %select_n3A_274, %reduce_min3A_275 [0] : vector<4096x256xf32> to vector<256xf32>
    %broadcast_in_dim3A_277 = vector.shape_cast %reduce_min3A_276 : vector<256xf32> to vector<1x256xf32>
    %eq3A_278 = vector.broadcast %broadcast_in_dim3A_277 : vector<1x256xf32> to vector<4096x256xf32>
    %eq3A_279 = arith.cmpf oeq, %convert_element_type3A, %eq3A_278 : vector<4096x256xf32>
    %neg3A_280 = arith.constant 0.000000e+00 : f32
    %neg3A_281 = arith.constant 1.000000e+09 : f32
    %neg3A_282 = arith.subf %neg3A_280, %neg3A_281 : f32
    %broadcast_in_dim3A_283 = vector.broadcast %neg3A_282 : f32 to vector<4096x256xf32>
    %select_n3A_284 = arith.select %eq3A_279, %broadcast_in_dim3A_283, %select_n3A_266 : vector<4096x256xi1>, vector<4096x256xf32>
    %neg3A_285 = arith.constant 0.000000e+00 : f32
    %neg3A_286 = arith.constant 1.000000e+09 : f32
    %neg3A_287 = arith.subf %neg3A_285, %neg3A_286 : f32
    %mul3A = arith.constant 5.000000e-01 : f32
    %mul3A_288 = arith.mulf %neg3A_287, %mul3A : f32
    %lt3A = vector.broadcast %mul3A_288 : f32 to vector<4096x256xf32>
    %lt3A_289 = arith.cmpf olt, %select_n3A_284, %lt3A : vector<4096x256xf32>
    %jit3A_290 = arith.constant 0.000000e+00 : f32
    %broadcast_in_dim3A_291 = vector.broadcast %jit3A_290 : f32 to vector<4096x256xf32>
    %select_n3A_292 = arith.select %lt3A_289, %get3A_3, %broadcast_in_dim3A_291 : vector<4096x256xi1>, vector<4096x256xf32>
    %swap3A = arith.constant 0 : index
    %swap3A_293 = arith.constant 0 : index
    %swap3A_294 = arith.constant 0 : index
    %swap3A_295 = vector.load %arg3[%swap3A, %swap3A_293, %swap3A_294] : memref<1x4096x256xf32, #tpu.memory_space<vmem>>, vector<1x4096x256xf32>
    %swap3A_296 = vector.shape_cast %swap3A_295 : vector<1x4096x256xf32> to vector<4096x256xf32>
    %swap3A_297 = vector.shape_cast %select_n3A_292 : vector<4096x256xf32> to vector<1x4096x256xf32>
    tpu.vector_store %arg3[%swap3A, %swap3A_293, %swap3A_294], %swap3A_297 {strides = array<i32>} : memref<1x4096x256xf32, #tpu.memory_space<vmem>>, vector<1x4096x256xf32>,
    return
  }
  func.func @transform_0(%arg0: i32, %arg1: i32) -> (i32, i32, i32) {
    %c0_i32 = arith.constant 0 : i32
    %c0_i32_0 = arith.constant 0 : i32
    return %arg0, %c0_i32, %arg1 : i32, i32, i32
  }
  func.func @transform_1(%arg0: i32, %arg1: i32) -> (i32, i32, i32) {
    %c0_i32 = arith.constant 0 : i32
    %c0_i32_0 = arith.constant 0 : i32
    return %arg0, %c0_i32, %arg1 : i32, i32, i32
  }
}

</mosaic_0001>

<sc_bundles>
// kernel: sparse-core-data-format-call.1.cloned.1.call-start
scs
called_computation.1_lowered:
.L_overlay_start_0:
0x0: {  	s1 =	sld [smem:$0x3FD9]  }
0x1: {  	s2 =	sld [smem:$0x3FFE];
	_ =	sdelay $0x1  }
0x2: {  	s3 =	srdreg.scid  }
0x3: {  	s0 =	sand.u32 $0x1, s3  }
0x4: {  	s17 =	sshll.u32 s0, $0xA;
	s1 =	sadd.s32 s2, s1  }
0x5: {  	s1 =	sadd.s32 s1, s17  }
0x6: {  	[smem:$0x3FC7] =	sst s1  }
0x7: {  	_ = 	snop  }
0x8: {  	(tm) =	ssettm $0x1  }
0x9: {  	s18 =	sld [smem:$0x3FFB];
	_ =	sdelay $0x3  }
0xa: {  	_ =	strace s18  }
0xb: {  	s1 =	sld [smem:$0x3FFC];
	_ =	sdelay $0x3  }
0xc: {  	_ =	strace s1  }
0xd: {  	s1 =	sld [smem:$0x3FFD];
	_ =	sdelay $0x3  }
0xe: {  	_ =	strace s1  }
0xf: {  	_ =	strace $0x8FFFFFFF  }
0x10: {  	s19 =	sld [smem:$0x3FDB];
	_ =	sdelay $0x1  }
0x11: {  	s20 =	simm.s32 $_scs_section_size  }
0x12: {  	s4 =	simm.s32 $_size__tile_overlayer_lowered;
	s5 =	simm.s32 $_tile_overlayer_lowered  }
0x13: {  	s23 =	simm.s32 $0x1BFF;
	s22 =	sshll.u32 s5, $0x1;
	s1 =	sadd.s32 s20, s19  }
0x14: {  	s6 =	simm.s32 $0x0;
	s21 =	sshll.u32 s4, $0x1;
	s4 =	sadd.s32 s22, s1  }
0x15: {  	[timem:s6], [sflag:s23] =	dma.local [hbm:s4], s21  }
0x16: {  	_ =	swait.ge [sflag:s23], s21  }
0x17: {  	s2 =	ssub.s32 $0x0, s21;
	[sflag:s23] =	ssyncset.done $0x0  }
0x18: {  	[sflag:s23] =	ssyncadd.s32 s2;
	_ =	sdelay $0x1  }
0x19: {  	s24 =	simm.s32 $0x1B8B  }
0x1a: {  	_ =	swait.ge [sflag:s24], $0x1  }
0x1b: {  	[sflag:s24] =	ssyncset.done $0x0  }
0x1c: {  	s26 =	simm.s32 $0x1B8E;
	s25 =	sld [smem:$0x3FFE];
	[sflag:s24] =	ssyncadd.s32 $0xFFFFFFFF  }
0x1d: {  	s27 =	simm.s32 $execute0_lowered;
	[smem:$0x3FD2] =	sst s26  }
0x1e: {  	s4 =	sshll.u32 s27, $0x1;
	_ =	strace $0x80000049;
	[dreg:$0x1] =	wrdreg $0xFFFFFFFF  }
0x1f: {  	s28 =	simm.s32 $_size_execute0_lowered;
	s1 =	sadd.s32 s1, s4;
	[dreg:$0x0] =	wrdreg $0x0  }
0x20: {  	s4 =	sshll.u32 s28, $0x1;
	[dreg:$0x2] =	wrdreg s1  }
0x21: {  	[dreg:$0x3] =	wrdreg s4  }
0x22: {  	[dreg:$0x4] =	wrdreg $0xC0  }
0x23: {  	_ =	task [dreg:s6], $0x5FFFF  }
0x24: {  	[dreg:$0x1] =	wrdreg $0xFFFFFFFF  }
0x25: {  	[dreg:$0x0] =	wrdreg $0x60  }
0x26: {  	[dreg:$0x2] =	wrdreg s25  }
0x27: {  	[dreg:$0x3] =	wrdreg $0x9  }
0x28: {  	_ =	task.clear_ibuf [dreg:s6], $0x4FFFF;
	_ =	strace $0x90000049  }
0x29: {  	s29 =	simm.s32 $0x9;
	_ =	strace $0x8000004B  }
0x2a: {  	_ =	swait.ge [sflag:s29], $0x1  }
0x2b: {  	[sflag:s29] =	ssyncadd.s32 $0xFFFFFFFF  }
0x2c: {  	_ =	strace $0x9000004B  }
0x2d: {  	_ =	sfence  }
0x2e: {  	s30 =	sld [smem:$0x0];
	_ =	sdelay $0x2  }
0x2f: {  	s31 =	sshll.u32 s3, $0xD;
	s3 =	sshrl.u32 s3, $0x2  }
0x30: {  	s2 =	sand.u32 $0x4000, s31;
	s1 =	sadd.s32 s3, s30  }
0x31: {  	s0 =	sor.u32 s2, s0;
	s1 =	sshll.u32 s1, $0x11  }
0x32: {  	s0 =	sor.u32 s1, s0  }
0x33: {  	s0 =	sadd.s32 $0x8F2B, s0  }
0x34: {  	[sflag:s0] =	ssyncadd.remote.s32 $0x1  }
0x35: {  	_ =	sfence.sel $0xFFFF  }
0x36: {  	[dreg:$0x0] =	wrdreg $0xFFFFFFFF;
	(pc) =	sbr.abs _section_cstart, $3  }
0x37: {  	[dreg:$0x1] =	wrdreg $0xFFFFFFFF  }
0x38: {  	_ =	task.clear_ibuf [dreg:s6], $0x2FFFF;
	_ =	strace $0x9FFFFFFF  }
0x39: {  	(tm) =	ssettm $0x7FFFFFFF  }
tec
execute0_lowered:
.L_overlay_start_1:
0x0: {  	(tag) =	ssettag $0x1  }
0x1: {  	s0 =	stileid.u32;
	s1 =	srdreg.scid  }
0x2: {  	s4 =	rddreg [dreg:$0x0];
	s7 =	simm.s32 $0x1;
	s31 =	simm.s32 $0x2  }
0x3: {  	s15 =	simm.s32 $0x0;
	s2 =	sshll.u32 s0, $0x5;
	s1 =	sshll.u32 s1, $0x9  }
0x4: {  	s9 =	simm.s32 $0x2000;
	s14 =	simm.s32 $0x0;
	s1 =	sor.u32 s2, s1  }
0x5: {  	s16 =	simm.s32 $0x0;
	s10 =	simm.s32 $0x0;
	s2 =	sand.u32 $0x380, s1  }
0x6: {  	s13 =	simm.s32 $0x0;
	s3 =	sadd.s32 $0x204200, s4;
	s5 =	ssub.s32 $0x400, s2  }
0x7: {  	s4 =	sadd.s32 $0x4200, s4;
	s1 =	rddreg [dreg:$0x1];
	s6 =	sand.u32 $0x380, s5  }
.Ltmp0:
0x8: {  	_ =	strace $0x8000004A;
	p0 =	sne.s32 s6, $0x0;
	(pc) =	sbr.rel .LBB1_1-.Ltmp0, $4  }
0x9: {  	s11 =	smov.u32 s2;
	s8 =	sshrl.u32 s5, $0xA;
	s7 =	simm.s32 @!p0 $0x0  }
0xa: {  	s5 =	sand.u32 $0x3, s0;
	s6 =	simm.s32 $0x1;
	s7 =	sadd.s32 s7, s8  }
0xb: {  	s12 =	smov.u32 s5;
	[sflag:s6] =	ssyncpa.u1 $0x0;
	s7 =	sshll.u32 s7, $0x5  }
0xc: {  	p0 =	por $0x0, $0x0;
	[sflag:s31] =	ssyncpa.u1 $0x0;
	s8 =	sor.u32 $0x1, s7  }
.LBB1_4:
0xd: {  	v5 =	vld [tilespmem:s20+$0xFFFFFFD0];
	[tilespmem:s19+$0x2040 ss:$0x81] =	vst.msk $0xffff, v1  }
0xe: {  	v58 =	vld [tilespmem:s20+$0xFFFFFFE0];
	[tilespmem:s19+$0x2850 ss:$0x81] =	vst.msk $0xffff, v2  }
0xf: {  	s21 =	sshra.s32 s21, $0x2;
	v59 =	vld [tilespmem:s20+$0xFFFFFFF0];
	[tilespmem:s19+$0x3060 ss:$0x81] =	vst.msk $0xffff, v3  }
0x10: {  	v60 =	vld [tilespmem:s20+$0x0];
	[tilespmem:s19+$0x0 ss:$0x81] =	vst.msk $0xffff, v0;
	s18 =	sadd.s32 s21, s18  }
0x11: {  	v61 =	vld [tilespmem:s20+$0x10];
	[tilespmem:s18+$0x3870 ss:$0x81] =	vst.msk $0xffff, v4  }
0x12: {  	v62 =	vld [tilespmem:s20+$0x20];
	[tilespmem:s18+$0x810 ss:$0x81] =	vst.msk $0xffff, v5  }
0x13: {  	v63 =	vld [tilespmem:s20+$0xFFFFFFC0];
	[tilespmem:s18+$0x1020 ss:$0x81] =	vst.msk $0xffff, v58  }
0x14: {  	s16 =	sshll.u32 s16, $0x13;
	[tilespmem:s18+$0x1830 ss:$0x81] =	vst.msk $0xffff, v59  }
0x15: {  	s28 =	sand.u32 $0x3F80, s14;
	s15 =	sshll.u32 s15, $0xE;
	s16 =	sadd.s32 s4, s16;
	[tilespmem:s18+$0x2040 ss:$0x81] =	vst.msk $0xffff, v60  }
0x16: {  	s29 =	sshrl.u32 s14, $0x3;
	s30 =	sand.u32 $0x7, s14;
	s16 =	sadd.s32 s28, s16;
	[tilespmem:s18+$0x2850 ss:$0x81] =	vst.msk $0xffff, v61  }
0x17: {  	s31 =	sand.u32 $0xF, s29;
	s14 =	sshll.u32 s30, $0x12;
	s15 =	sadd.s32 s15, s16;
	[tilespmem:s18+$0x3060 ss:$0x81] =	vst.msk $0xffff, v62  }
0x18: {  	s14 =	sor.u32 $0x400, s14;
	s15 =	sadd.s32 s31, s15;
	[tilespmem:s18+$0x0 ss:$0x81] =	vst.msk $0xffff, v63  }
0x19: {  	[hbm4b:s15+s14] =	stream.strided.scatter [tilespmem:s17], [sflag:$0x2], $0x4000, s9, s14, $0x20;
	[tilespmem:$0x10100] =	vst v63  }
.LBB1_5:
0x1a: {  	s17 =	sadd.s32 $0x1, s10  }
0x1b: {  	s14 =	sadd.s32 $0x400, s11;
	s18 =	smov.u32 s11;
	p2 =	sgt.s32 s17, $0x1F  }
0x1c: {  	s18 =	smov.u32 @p2 s14  }
0x1d: {  	s20 =	smov.u32 s12;
	s14 =	sadd.s32 $0x4, s12;
	p3 =	sgt.s32 s18, $0x3FF  }
0x1e: {  	s20 =	smov.u32 @p3 s14  }
0x1f: {  	s17 =	simm.s32 @p2 $0x0;
	p2 =	sgt.s32 s20, $0x3  }
0x20: {  	p1 =	slt.u32 s13, $0x2;
	s20 =	smov.u32 @p2 s5;
	p2 =	sne.s32 s13, s8  }
.Ltmp1:
0x21: {  	s19 =	simm.s32 @!p1 $0x2;
	(pc) =	sbr.rel @!p2 .LBB1_6-.Ltmp1, $4  }
0x22: {  	s15 =	smov.u32 s10;
	s16 =	smov.u32 s12;
	_ =	swait.ge @!p1 [sflag:s19], $0x4000  }
0x23: {  	p0 =	por !p0, !p0;
	[sflag:s19] =	ssyncset.done @!p1 $0x0;
	s10 =	smov.u32 s17  }
0x24: {  	s18 =	smov.u32 @p3 s2;
	s14 =	smov.u32 s11;
	[sflag:s19] =	ssyncadd.s32 @!p1 $0xFFFFC000  }
0x25: {  	s11 =	smov.u32 s18;
	s13 =	sadd.s32 $0x1, s13;
	s12 =	smov.u32 s20  }
.LBB1_1:
0x26: {  	p1 =	sge.u32 s13, s7;
	s31 =	sadd.s32 $0xFFFFFFFF, s13  }
0x27: {  	s17 =	sxor.u32 @!p1 $0xFFFFFFFF, s13;
	s18 =	sshll.u32 @!p1 s12, $0x13;
	s19 =	sshll.u32 @!p1 s11, $0x9  }
0x28: {  	s20 =	sshll.u32 @!p1 s10, $0x4;
	s17 =	sshll.u32 @!p1 s17, $0xE;
	s18 =	sadd.s32 @!p1 s3, s18  }
0x29: {  	s20 =	sand.u32 @!p1 $0x1F0, s20;
	s17 =	sand.u32 @!p1 $0x4000, s17;
	s18 =	sadd.s32 @!p1 s19, s18  }
0x2a: {  	s19 =	simm.s32 @!p1 $0x80;
	s18 =	sadd.s32 @!p1 s20, s18;
	s20 =	simm.s32 @!p1 $0x1000  }
0x2b: {  	[tilespmem:s17], [sflag:$0x1] =	stream.strided.gather @!p1 [hbm4b:s18+s19], $0x4000, s20, s19, $0x38;
	[tilespmem:$0x10100] =	vst v63  }
0x2c: {  	p1 =	sge.u32 s31, s7  }
.Ltmp2:
0x2d: {  	_ = 	snop;
	(pc) =	sbr.rel @p1 .LBB1_5-.Ltmp2, $1  }
0x2e: {  	_ =	sdelay $0x3  }
0x2f: {  	s17 =	simm.s32 $0x1  }
0x30: {  	_ =	swait.ge [sflag:s6], $0x4000;
	s17 =	simm.s32 @!p0 $0x0  }
0x31: {  	[sflag:s6] =	ssyncset.done $0x0;
	s18 =	sshll.u32 s17, $0xE  }
0x32: {  	[sflag:s6] =	ssyncadd.s32 $0xFFFFC000;
	s20 =	sor.u32 $0x40, s18  }
0x33: {  	s17 =	smul.u32 $0x10200, s17;
	v0 =	vld [tilespmem:s20+$0x30]  }
0x34: {  	v3 =	vld [tilespmem:s20+$0xFFFFFFD0]  }
0x35: {  	s17 =	sshrl.u32 s17, $0x2;
	v4 =	vld [tilespmem:s20+$0xFFFFFFE0]  }
0x36: {  	v5 =	vld [tilespmem:s20+$0xFFFFFFF0];
	s18 =	sor.u32 $0x8000, s17  }
0x37: {  	s31 =	sand.u32 $0x1, s13;
	v1 =	vld [tilespmem:s20+$0x0];
	s19 =	sadd.s32 $0x0, s18  }
0x38: {  	v2 =	vld [tilespmem:s20+$0x10];
	s17 =	smul.u32 $0x10200, s31;
	[tilespmem:s19+$0x3870 ss:$0x81] =	vst.msk $0xffff, v0  }
0x39: {  	[tilespmem:s19+$0x810 ss:$0x81] =	vst.msk $0xffff, v3;
	v3 =	vld [tilespmem:s20+$0x20]  }
0x3a: {  	s17 =	sshrl.u32 s17, $0x2;
	v0 =	vld [tilespmem:s20+$0xFFFFFFC0];
	[tilespmem:s19+$0x1020 ss:$0x81] =	vst.msk $0xffff, v4;
	s20 =	sadd.s32 $0x80, s20  }
0x3b: {  	s21 =	simm.s32 $0x4;
	s22 =	simm.s32 $0x8;
	s17 =	sor.u32 $0x8000, s17;
	[tilespmem:s19+$0x1830 ss:$0x81] =	vst.msk $0xffff, v5;
	v4 =	vld [tilespmem:s20+$0x30]  }
.LBB1_3:
0x3c: {  	p1 =	sne.s32 s22, $0x1FC;
	v5 =	vld [tilespmem:s20+$0xFFFFFFD0];
	[tilespmem:s19+$0x2040 ss:$0x81] =	vst.msk $0xffff, v1  }
0x3d: {  	v6 =	vld [tilespmem:s20+$0xFFFFFFE0];
	[tilespmem:s19+$0x2850 ss:$0x81] =	vst.msk $0xffff, v2  }
0x3e: {  	s23 =	sshra.s32 s21, $0x2;
	s21 =	smov.u32 s22;
	v7 =	vld [tilespmem:s20+$0xFFFFFFF0];
	[tilespmem:s19+$0x3060 ss:$0x81] =	vst.msk $0xffff, v3  }
.Ltmp3:
0x3f: {  	v1 =	vld [tilespmem:s20+$0x0];
	[tilespmem:s19+$0x0 ss:$0x81] =	vst.msk $0xffff, v0;
	s19 =	sadd.s32 s23, s18;
	(pc) =	sbr.rel @p1 .LBB1_3-.Ltmp3, $4  }
0x40: {  	v2 =	vld [tilespmem:s20+$0x10];
	[tilespmem:s19+$0x3870 ss:$0x81] =	vst.msk $0xffff, v4  }
0x41: {  	[tilespmem:s19+$0x810 ss:$0x81] =	vst.msk $0xffff, v5;
	v3 =	vld [tilespmem:s20+$0x20]  }
0x42: {  	v0 =	vld [tilespmem:s20+$0xFFFFFFC0];
	[tilespmem:s19+$0x1020 ss:$0x81] =	vst.msk $0xffff, v6;
	s20 =	sadd.s32 $0x80, s20  }
0x43: {  	s22 =	sadd.s32 $0x4, s22;
	v4 =	vld [tilespmem:s20+$0x30];
	[tilespmem:s19+$0x1830 ss:$0x81] =	vst.msk $0xffff, v7  }
.Ltmp4:
0x44: {  	_ = 	snop;
	(pc) =	sbr.rel .LBB1_4-.Ltmp4, $1  }
0x45: {  	_ =	sdelay $0x3  }
.LBB1_6:
0x46: {  	_ =	sfence.sel $0x180000  }
0x47: {  	s2 =	simm.s32 $0x1;
	[bflag:$0x0] =	sbarrier.arrive $0xFFFF  }
0x48: {  	s31 =	simm.s32 $0x2;
	[sflag:s2] =	ssyncpa.u1 $0x1  }
0x49: {  	[sflag:s31] =	ssyncpa.u1 $0x1  }
0x4a: {  	p0 =	sne.s32 s0, $0x0;
	_ =	strace $0x9000004A  }
0x4b: {  	s0 =	sadd.s32 @!p0 $0x100000, s1;
	[bflag:$0x2] =	sbarrier.arrive $0xFFFF  }
0x4c: {  	[sflag:s0] =	ssyncadd.tile.s32 @!p0 $0x1;
	_ =	shalt  }
.Lfunc_end1:
_tile_overlayer_lowered:
.L_overlay_start_2:
0x4d: {  	(tag) =	ssettag $0x2  }
0x4e: {  	s0 =	rddreg [dreg:$0x0];
	s2 =	stileid.u32  }
0x4f: {  	s1 =	rddreg [dreg:$0x1];
	p0 =	sne.s32 s2, $0x0  }
0x50: {  	s3 =	rddreg [dreg:$0x2];
	[bflag:$0x3] =	sbarrier.arrive $0xFFFF;
	s2 =	simm.s32 @!p0 $0x1C01  }
0x51: {  	[timem:s3], [sflag:s2] =	dma.local @!p0 [hbm:s0], s1  }
0x52: {  	s0 =	simm.s32 @!p0 $0x1  }
0x53: {  	_ =	swait.ge @!p0 [sflag:s0], s1  }
0x54: {  	s1 =	ssub.s32 @!p0 $0x0, s1;
	[sflag:s0] =	ssyncset.done @!p0 $0x0  }
0x55: {  	[sflag:s0] =	ssyncadd.s32 @!p0 s1  }
0x56: {  	[bflag:$0x3] =	sbarrier.arrive $0xFFFF  }
0x57: {  	_ =	shalt  }

// kernel: sparse-core-data-format-call.2.cloned.1.call-start
scs
called_computation.2_lowered:
.L_overlay_start_0:
0x0: {  	s2 =	sld [smem:$0x3FD9]  }
0x1: {  	s3 =	sld [smem:$0x3FFE];
	_ =	sdelay $0x1  }
0x2: {  	s1 =	srdreg.scid  }
0x3: {  	s0 =	sand.u32 $0x1, s1  }
0x4: {  	s18 =	sshll.u32 s0, $0xA;
	s2 =	sadd.s32 s3, s2  }
0x5: {  	s2 =	sadd.s32 s2, s18  }
0x6: {  	[smem:$0x3FC7] =	sst s2  }
0x7: {  	_ = 	snop  }
0x8: {  	s19 =	sld [smem:$0x3FD0];
	(tm) =	ssettm $0x1  }
0x9: {  	s20 =	sld [smem:$0x3FFB];
	_ =	sdelay $0x3  }
0xa: {  	_ =	strace s20  }
0xb: {  	s2 =	sld [smem:$0x3FFC];
	_ =	sdelay $0x3  }
0xc: {  	_ =	strace s2  }
0xd: {  	s2 =	sld [smem:$0x3FFD];
	_ =	sdelay $0x3  }
0xe: {  	_ =	strace s2  }
0xf: {  	_ =	strace $0x8FFFFFFF  }
0x10: {  	s21 =	sld [smem:$0x3FDB];
	_ =	sdelay $0x1  }
0x11: {  	s4 =	simm.s32 $_scs_section_size  }
0x12: {  	s5 =	simm.s32 $_size__tile_overlayer_lowered;
	s6 =	simm.s32 $_tile_overlayer_lowered  }
0x13: {  	s7 =	simm.s32 $0x1BFF;
	s22 =	sshll.u32 s6, $0x1;
	s4 =	sadd.s32 s4, s21  }
0x14: {  	s23 =	simm.s32 $0x0;
	s5 =	sshll.u32 s5, $0x1;
	s6 =	sadd.s32 s22, s4  }
0x15: {  	[timem:s23], [sflag:s7] =	dma.local [hbm:s6], s5  }
0x16: {  	_ =	swait.ge [sflag:s7], s5  }
0x17: {  	s5 =	ssub.s32 $0x0, s5;
	[sflag:s7] =	ssyncset.done $0x0  }
0x18: {  	[sflag:s7] =	ssyncadd.s32 s5;
	_ =	sdelay $0x1  }
0x19: {  	s24 =	simm.s32 $0x1B8B  }
0x1a: {  	_ =	swait.ge [sflag:s24], $0x1  }
0x1b: {  	[sflag:s24] =	ssyncset.done $0x0  }
0x1c: {  	[sflag:s24] =	ssyncadd.s32 $0xFFFFFFFF  }
0x1d: {  	s5 =	sld [smem:$0x0]  }
0x1e: {  	s6 =	sand.u32 $0xFFFFFFFE, s1  }
0x1f: {  	p0 =	sne.s32 s1, s6  }
0x20: {  	s6 =	sshll.u32 @p0 s6, $0xE  }
0x21: {  	s6 =	sadd.s32 @p0 $0x11B8D, s6;
	s7 =	sshll.u32 @p0 s5, $0x11  }
0x22: {  	s6 =	sor.u32 @p0 s7, s6  }
0x23: {  	[sflag:s6] =	ssyncadd.remote.s32 @p0 $0x1;
	_ =	sdelay $0x1  }
0x24: {  	s6 =	simm.s32 @p0 $0x1B8D  }
0x25: {  	_ =	swait.eq @p0 [sflag:s6], $0x1  }
0x26: {  	[sflag:s6] =	ssyncadd.s32 @p0 $0xFFFFFFFF  }
0x27: {  	s7 =	sshll.u32 @!p0 s1, $0xE  }
0x28: {  	s7 =	sor.u32 @!p0 $0x4000, s7;
	s6 =	simm.s32 @!p0 $0x1B8D  }
0x29: {  	s5 =	sshll.u32 @!p0 s5, $0x11;
	s7 =	sadd.s32 @!p0 $0x11B8D, s7;
	_ =	swait.eq @!p0 [sflag:s6], $0x1  }
0x2a: {  	s5 =	sor.u32 @!p0 s5, s7;
	[sflag:s6] =	ssyncadd.s32 @!p0 $0xFFFFFFFF  }
0x2b: {  	s26 =	simm.s32 $0x1B8E;
	s25 =	sld [smem:$0x3FFE];
	[sflag:s5] =	ssyncadd.remote.s32 @!p0 $0x1  }
0x2c: {  	s27 =	simm.s32 $execute0_lowered;
	[smem:$0x3FD2] =	sst s26  }
0x2d: {  	s6 =	sshll.u32 s27, $0x1;
	_ =	strace $0x8000004C;
	[dreg:$0x1] =	wrdreg $0xFFFFFFFF  }
0x2e: {  	s28 =	simm.s32 $_size_execute0_lowered;
	s4 =	sadd.s32 s4, s6;
	[dreg:$0x0] =	wrdreg $0x0  }
0x2f: {  	s6 =	sshll.u32 s28, $0x1;
	[dreg:$0x2] =	wrdreg s4  }
0x30: {  	[dreg:$0x3] =	wrdreg s6  }
0x31: {  	[dreg:$0x4] =	wrdreg $0xC0  }
0x32: {  	_ =	task [dreg:s23], $0x5FFFF  }
0x33: {  	[dreg:$0x1] =	wrdreg $0xFFFFFFFF  }
0x34: {  	[dreg:$0x0] =	wrdreg $0x60  }
0x35: {  	[dreg:$0x2] =	wrdreg s19  }
0x36: {  	[dreg:$0x3] =	wrdreg s25  }
0x37: {  	[dreg:$0x4] =	wrdreg $0xA  }
0x38: {  	_ =	task.clear_ibuf [dreg:s23], $0x5FFFF;
	_ =	strace $0x9000004C  }
0x39: {  	s29 =	simm.s32 $0xA;
	_ =	strace $0x8000004E  }
0x3a: {  	_ =	swait.ge [sflag:s29], $0x1  }
0x3b: {  	[sflag:s29] =	ssyncadd.s32 $0xFFFFFFFF  }
0x3c: {  	_ =	strace $0x9000004E  }
0x3d: {  	_ =	sfence  }
0x3e: {  	s30 =	sld [smem:$0x0];
	_ =	sdelay $0x2  }
0x3f: {  	s31 =	sshll.u32 s1, $0xD;
	s1 =	sshrl.u32 s1, $0x2  }
0x40: {  	s4 =	sand.u32 $0x4000, s31;
	s1 =	sadd.s32 s1, s30  }
0x41: {  	s0 =	sor.u32 s4, s0;
	s1 =	sshll.u32 s1, $0x11  }
0x42: {  	s0 =	sor.u32 s1, s0  }
0x43: {  	s0 =	sadd.s32 $0x8F2B, s0  }
0x44: {  	[sflag:s0] =	ssyncadd.remote.s32 $0x1  }
0x45: {  	_ =	sfence.sel $0xFFFF  }
0x46: {  	[dreg:$0x0] =	wrdreg $0xFFFFFFFF;
	(pc) =	sbr.abs _section_cstart, $3  }
0x47: {  	[dreg:$0x1] =	wrdreg $0xFFFFFFFF  }
0x48: {  	_ =	task.clear_ibuf [dreg:s23], $0x2FFFF;
	_ =	strace $0x9FFFFFFF  }
0x49: {  	(tm) =	ssettm $0x7FFFFFFF  }
tec
execute0_lowered:
.L_overlay_start_1:
0x0: {  	(tag) =	ssettag $0x1  }
0x1: {  	s0 =	stileid.u32;
	s1 =	srdreg.scid  }
0x2: {  	s4 =	rddreg [dreg:$0x1];
	s7 =	simm.s32 $0x1;
	s31 =	simm.s32 $0x2  }
0x3: {  	s15 =	simm.s32 $0x0;
	s2 =	sshll.u32 s0, $0x5;
	s1 =	sshll.u32 s1, $0x9  }
0x4: {  	s9 =	simm.s32 $0x2000;
	s14 =	simm.s32 $0x0;
	s1 =	sor.u32 s2, s1  }
0x5: {  	s16 =	simm.s32 $0x0;
	s10 =	simm.s32 $0x0;
	s3 =	sand.u32 $0x380, s1  }
0x6: {  	s13 =	simm.s32 $0x0;
	s2 =	rddreg [dreg:$0x0];
	s5 =	ssub.s32 $0x400, s3  }
0x7: {  	s4 =	sadd.s32 $0x404200, s4;
	s1 =	rddreg [dreg:$0x2];
	s6 =	sand.u32 $0x380, s5  }
.Ltmp0:
0x8: {  	_ =	strace $0x8000004D;
	p0 =	sne.s32 s6, $0x0;
	(pc) =	sbr.rel .LBB1_1-.Ltmp0, $4  }
0x9: {  	s11 =	smov.u32 s3;
	s8 =	sshrl.u32 s5, $0xA;
	s7 =	simm.s32 @!p0 $0x0  }
0xa: {  	s5 =	sand.u32 $0x3, s0;
	s6 =	simm.s32 $0x1;
	s7 =	sadd.s32 s7, s8  }
0xb: {  	s12 =	smov.u32 s5;
	[sflag:s6] =	ssyncpa.u1 $0x0;
	s7 =	sshll.u32 s7, $0x5  }
0xc: {  	p0 =	por $0x0, $0x0;
	[sflag:s31] =	ssyncpa.u1 $0x0;
	s8 =	sor.u32 $0x1, s7  }
.LBB1_4:
0xd: {  	v5 =	vld [tilespmem:s20+$0xFFFFFFD0];
	[tilespmem:s19+$0x2040 ss:$0x81] =	vst.msk $0xffff, v1  }
0xe: {  	v58 =	vld [tilespmem:s20+$0xFFFFFFE0];
	[tilespmem:s19+$0x2850 ss:$0x81] =	vst.msk $0xffff, v2  }
0xf: {  	s21 =	sshra.s32 s21, $0x2;
	v59 =	vld [tilespmem:s20+$0xFFFFFFF0];
	[tilespmem:s19+$0x3060 ss:$0x81] =	vst.msk $0xffff, v3  }
0x10: {  	v60 =	vld [tilespmem:s20+$0x0];
	[tilespmem:s19+$0x0 ss:$0x81] =	vst.msk $0xffff, v0;
	s18 =	sadd.s32 s21, s18  }
0x11: {  	v61 =	vld [tilespmem:s20+$0x10];
	[tilespmem:s18+$0x3870 ss:$0x81] =	vst.msk $0xffff, v4  }
0x12: {  	v62 =	vld [tilespmem:s20+$0x20];
	[tilespmem:s18+$0x810 ss:$0x81] =	vst.msk $0xffff, v5  }
0x13: {  	v63 =	vld [tilespmem:s20+$0xFFFFFFC0];
	[tilespmem:s18+$0x1020 ss:$0x81] =	vst.msk $0xffff, v58  }
0x14: {  	s16 =	sshll.u32 s16, $0x13;
	[tilespmem:s18+$0x1830 ss:$0x81] =	vst.msk $0xffff, v59  }
0x15: {  	s28 =	sand.u32 $0x3F80, s14;
	s15 =	sshll.u32 s15, $0xE;
	s16 =	sadd.s32 s4, s16;
	[tilespmem:s18+$0x2040 ss:$0x81] =	vst.msk $0xffff, v60  }
0x16: {  	s29 =	sshrl.u32 s14, $0x3;
	s30 =	sand.u32 $0x7, s14;
	s16 =	sadd.s32 s28, s16;
	[tilespmem:s18+$0x2850 ss:$0x81] =	vst.msk $0xffff, v61  }
0x17: {  	s31 =	sand.u32 $0xF, s29;
	s14 =	sshll.u32 s30, $0x12;
	s15 =	sadd.s32 s15, s16;
	[tilespmem:s18+$0x3060 ss:$0x81] =	vst.msk $0xffff, v62  }
0x18: {  	s14 =	sor.u32 $0x400, s14;
	s15 =	sadd.s32 s31, s15;
	[tilespmem:s18+$0x0 ss:$0x81] =	vst.msk $0xffff, v63  }
0x19: {  	[hbm4b:s15+s14] =	stream.strided.scatter [tilespmem:s17], [sflag:$0x2], $0x4000, s9, s14, $0x20;
	[tilespmem:$0x10100] =	vst v63  }
.LBB1_5:
0x1a: {  	s17 =	sadd.s32 $0x1, s10  }
0x1b: {  	s14 =	sadd.s32 $0x400, s11;
	s18 =	smov.u32 s11;
	p2 =	sgt.s32 s17, $0x1F  }
0x1c: {  	s18 =	smov.u32 @p2 s14  }
0x1d: {  	s20 =	smov.u32 s12;
	s14 =	sadd.s32 $0x4, s12;
	p3 =	sgt.s32 s18, $0x3FF  }
0x1e: {  	s20 =	smov.u32 @p3 s14  }
0x1f: {  	s17 =	simm.s32 @p2 $0x0;
	p2 =	sgt.s32 s20, $0x3  }
0x20: {  	p1 =	slt.u32 s13, $0x2;
	s20 =	smov.u32 @p2 s5;
	p2 =	sne.s32 s13, s8  }
.Ltmp1:
0x21: {  	s19 =	simm.s32 @!p1 $0x2;
	(pc) =	sbr.rel @!p2 .LBB1_6-.Ltmp1, $4  }
0x22: {  	s15 =	smov.u32 s10;
	s16 =	smov.u32 s12;
	_ =	swait.ge @!p1 [sflag:s19], $0x4000  }
0x23: {  	p0 =	por !p0, !p0;
	[sflag:s19] =	ssyncset.done @!p1 $0x0;
	s10 =	smov.u32 s17  }
0x24: {  	s18 =	smov.u32 @p3 s3;
	s14 =	smov.u32 s11;
	[sflag:s19] =	ssyncadd.s32 @!p1 $0xFFFFC000  }
0x25: {  	s11 =	smov.u32 s18;
	s13 =	sadd.s32 $0x1, s13;
	s12 =	smov.u32 s20  }
.LBB1_1:
0x26: {  	p1 =	sge.u32 s13, s7;
	s31 =	sadd.s32 $0xFFFFFFFF, s13  }
0x27: {  	s17 =	sxor.u32 @!p1 $0xFFFFFFFF, s13;
	s18 =	sshll.u32 @!p1 s12, $0x13;
	s19 =	sshll.u32 @!p1 s11, $0x9  }
0x28: {  	s20 =	sshll.u32 @!p1 s10, $0x4;
	s17 =	sshll.u32 @!p1 s17, $0xE;
	s18 =	sadd.s32 @!p1 s2, s18  }
0x29: {  	s20 =	sand.u32 @!p1 $0x1F0, s20;
	s17 =	sand.u32 @!p1 $0x4000, s17;
	s18 =	sadd.s32 @!p1 s19, s18  }
0x2a: {  	s19 =	simm.s32 @!p1 $0x80;
	s18 =	sadd.s32 @!p1 s20, s18;
	s20 =	simm.s32 @!p1 $0x1000  }
0x2b: {  	[tilespmem:s17], [sflag:$0x1] =	stream.strided.gather @!p1 [hbm4b:s18+s19], $0x4000, s20, s19, $0x38;
	[tilespmem:$0x10100] =	vst v63  }
0x2c: {  	p1 =	sge.u32 s31, s7  }
.Ltmp2:
0x2d: {  	_ = 	snop;
	(pc) =	sbr.rel @p1 .LBB1_5-.Ltmp2, $1  }
0x2e: {  	_ =	sdelay $0x3  }
0x2f: {  	s17 =	simm.s32 $0x1  }
0x30: {  	_ =	swait.ge [sflag:s6], $0x4000;
	s17 =	simm.s32 @!p0 $0x0  }
0x31: {  	[sflag:s6] =	ssyncset.done $0x0;
	s18 =	sshll.u32 s17, $0xE  }
0x32: {  	[sflag:s6] =	ssyncadd.s32 $0xFFFFC000;
	s20 =	sor.u32 $0x40, s18  }
0x33: {  	s17 =	smul.u32 $0x10200, s17;
	v0 =	vld [tilespmem:s20+$0x30]  }
0x34: {  	v3 =	vld [tilespmem:s20+$0xFFFFFFD0]  }
0x35: {  	s17 =	sshrl.u32 s17, $0x2;
	v4 =	vld [tilespmem:s20+$0xFFFFFFE0]  }
0x36: {  	v5 =	vld [tilespmem:s20+$0xFFFFFFF0];
	s18 =	sor.u32 $0x8000, s17  }
0x37: {  	s31 =	sand.u32 $0x1, s13;
	v1 =	vld [tilespmem:s20+$0x0];
	s19 =	sadd.s32 $0x0, s18  }
0x38: {  	v2 =	vld [tilespmem:s20+$0x10];
	s17 =	smul.u32 $0x10200, s31;
	[tilespmem:s19+$0x3870 ss:$0x81] =	vst.msk $0xffff, v0  }
0x39: {  	[tilespmem:s19+$0x810 ss:$0x81] =	vst.msk $0xffff, v3;
	v3 =	vld [tilespmem:s20+$0x20]  }
0x3a: {  	s17 =	sshrl.u32 s17, $0x2;
	v0 =	vld [tilespmem:s20+$0xFFFFFFC0];
	[tilespmem:s19+$0x1020 ss:$0x81] =	vst.msk $0xffff, v4;
	s20 =	sadd.s32 $0x80, s20  }
0x3b: {  	s21 =	simm.s32 $0x4;
	s22 =	simm.s32 $0x8;
	s17 =	sor.u32 $0x8000, s17;
	[tilespmem:s19+$0x1830 ss:$0x81] =	vst.msk $0xffff, v5;
	v4 =	vld [tilespmem:s20+$0x30]  }
.LBB1_3:
0x3c: {  	p1 =	sne.s32 s22, $0x1FC;
	v5 =	vld [tilespmem:s20+$0xFFFFFFD0];
	[tilespmem:s19+$0x2040 ss:$0x81] =	vst.msk $0xffff, v1  }
0x3d: {  	v6 =	vld [tilespmem:s20+$0xFFFFFFE0];
	[tilespmem:s19+$0x2850 ss:$0x81] =	vst.msk $0xffff, v2  }
0x3e: {  	s23 =	sshra.s32 s21, $0x2;
	s21 =	smov.u32 s22;
	v7 =	vld [tilespmem:s20+$0xFFFFFFF0];
	[tilespmem:s19+$0x3060 ss:$0x81] =	vst.msk $0xffff, v3  }
.Ltmp3:
0x3f: {  	v1 =	vld [tilespmem:s20+$0x0];
	[tilespmem:s19+$0x0 ss:$0x81] =	vst.msk $0xffff, v0;
	s19 =	sadd.s32 s23, s18;
	(pc) =	sbr.rel @p1 .LBB1_3-.Ltmp3, $4  }
0x40: {  	v2 =	vld [tilespmem:s20+$0x10];
	[tilespmem:s19+$0x3870 ss:$0x81] =	vst.msk $0xffff, v4  }
0x41: {  	[tilespmem:s19+$0x810 ss:$0x81] =	vst.msk $0xffff, v5;
	v3 =	vld [tilespmem:s20+$0x20]  }
0x42: {  	v0 =	vld [tilespmem:s20+$0xFFFFFFC0];
	[tilespmem:s19+$0x1020 ss:$0x81] =	vst.msk $0xffff, v6;
	s20 =	sadd.s32 $0x80, s20  }
0x43: {  	s22 =	sadd.s32 $0x4, s22;
	v4 =	vld [tilespmem:s20+$0x30];
	[tilespmem:s19+$0x1830 ss:$0x81] =	vst.msk $0xffff, v7  }
.Ltmp4:
0x44: {  	_ = 	snop;
	(pc) =	sbr.rel .LBB1_4-.Ltmp4, $1  }
0x45: {  	_ =	sdelay $0x3  }
.LBB1_6:
0x46: {  	_ =	sfence.sel $0x180000  }
0x47: {  	s2 =	simm.s32 $0x1;
	[bflag:$0x0] =	sbarrier.arrive $0xFFFF  }
0x48: {  	s31 =	simm.s32 $0x2;
	[sflag:s2] =	ssyncpa.u1 $0x1  }
0x49: {  	[sflag:s31] =	ssyncpa.u1 $0x1  }
0x4a: {  	p0 =	sne.s32 s0, $0x0;
	_ =	strace $0x9000004D  }
0x4b: {  	s0 =	sadd.s32 @!p0 $0x100000, s1;
	[bflag:$0x2] =	sbarrier.arrive $0xFFFF  }
0x4c: {  	[sflag:s0] =	ssyncadd.tile.s32 @!p0 $0x1;
	_ =	shalt  }
.Lfunc_end1:
_tile_overlayer_lowered:
.L_overlay_start_2:
0x4d: {  	(tag) =	ssettag $0x2  }
0x4e: {  	s0 =	rddreg [dreg:$0x0];
	s2 =	stileid.u32  }
0x4f: {  	s1 =	rddreg [dreg:$0x1];
	p0 =	sne.s32 s2, $0x0  }
0x50: {  	s3 =	rddreg [dreg:$0x2];
	[bflag:$0x3] =	sbarrier.arrive $0xFFFF;
	s2 =	simm.s32 @!p0 $0x1C01  }
0x51: {  	[timem:s3], [sflag:s2] =	dma.local @!p0 [hbm:s0], s1  }
0x52: {  	s0 =	simm.s32 @!p0 $0x1  }
0x53: {  	_ =	swait.ge @!p0 [sflag:s0], s1  }
0x54: {  	s1 =	ssub.s32 @!p0 $0x0, s1;
	[sflag:s0] =	ssyncset.done @!p0 $0x0  }
0x55: {  	[sflag:s0] =	ssyncadd.s32 @!p0 s1  }
0x56: {  	[bflag:$0x3] =	sbarrier.arrive $0xFFFF  }
0x57: {  	_ =	shalt  }

// kernel: sparse-core-data-format-call.3.cloned.1.call-start
scs
called_computation.3_lowered:
.L_overlay_start_0:
0x0: {  	s2 =	sld [smem:$0x3FD9]  }
0x1: {  	s3 =	sld [smem:$0x3FFE];
	_ =	sdelay $0x1  }
0x2: {  	s1 =	srdreg.scid  }
0x3: {  	s0 =	sand.u32 $0x1, s1  }
0x4: {  	s18 =	sshll.u32 s0, $0xA;
	s2 =	sadd.s32 s3, s2  }
0x5: {  	s2 =	sadd.s32 s2, s18  }
0x6: {  	[smem:$0x3FC7] =	sst s2  }
0x7: {  	_ = 	snop  }
0x8: {  	s2 =	sld [smem:$0x3FC9];
	(tm) =	ssettm $0x1  }
0x9: {  	s19 =	sld [smem:$0x3FFB];
	_ =	sdelay $0x3  }
0xa: {  	_ =	strace s19  }
0xb: {  	s3 =	sld [smem:$0x3FFC];
	_ =	sdelay $0x3  }
0xc: {  	_ =	strace s3  }
0xd: {  	s3 =	sld [smem:$0x3FFD];
	_ =	sdelay $0x3  }
0xe: {  	_ =	strace s3  }
0xf: {  	_ =	strace $0x8FFFFFFF  }
0x10: {  	s20 =	sld [smem:$0x3FDB];
	_ =	sdelay $0x1  }
0x11: {  	s4 =	simm.s32 $_scs_section_size  }
0x12: {  	s5 =	simm.s32 $_size__tile_overlayer_lowered;
	s6 =	simm.s32 $_tile_overlayer_lowered  }
0x13: {  	s23 =	simm.s32 $0x1BFF;
	s22 =	sshll.u32 s6, $0x1;
	s3 =	sadd.s32 s4, s20  }
0x14: {  	s7 =	simm.s32 $0x0;
	s21 =	sshll.u32 s5, $0x1;
	s5 =	sadd.s32 s22, s3  }
0x15: {  	[timem:s7], [sflag:s23] =	dma.local [hbm:s5], s21  }
0x16: {  	_ =	swait.ge [sflag:s23], s21  }
0x17: {  	s4 =	ssub.s32 $0x0, s21;
	[sflag:s23] =	ssyncset.done $0x0  }
0x18: {  	[sflag:s23] =	ssyncadd.s32 s4;
	_ =	sdelay $0x1  }
0x19: {  	s24 =	simm.s32 $0x1B8B  }
0x1a: {  	_ =	swait.ge [sflag:s24], $0x1  }
0x1b: {  	[sflag:s24] =	ssyncset.done $0x0  }
0x1c: {  	s26 =	simm.s32 $0x1B8E;
	s25 =	sld [smem:$0x3FFE];
	[sflag:s24] =	ssyncadd.s32 $0xFFFFFFFF  }
0x1d: {  	s27 =	simm.s32 $execute0_lowered;
	[smem:$0x3FD2] =	sst s26  }
0x1e: {  	s5 =	sshll.u32 s27, $0x1;
	_ =	strace $0x80000046;
	[dreg:$0x1] =	wrdreg $0xFFFFFFFF  }
0x1f: {  	s28 =	simm.s32 $_size_execute0_lowered;
	s3 =	sadd.s32 s3, s5;
	[dreg:$0x0] =	wrdreg $0x0  }
0x20: {  	s5 =	sshll.u32 s28, $0x1;
	[dreg:$0x2] =	wrdreg s3  }
0x21: {  	[dreg:$0x3] =	wrdreg s5  }
0x22: {  	[dreg:$0x4] =	wrdreg $0xC0  }
0x23: {  	_ =	task [dreg:s7], $0x5FFFF  }
0x24: {  	[dreg:$0x1] =	wrdreg $0xFFFFFFFF  }
0x25: {  	[dreg:$0x0] =	wrdreg $0x60  }
0x26: {  	[dreg:$0x2] =	wrdreg s2  }
0x27: {  	[dreg:$0x3] =	wrdreg s25  }
0x28: {  	[dreg:$0x4] =	wrdreg $0x9  }
0x29: {  	_ =	task.clear_ibuf [dreg:s7], $0x5FFFF;
	_ =	strace $0x90000046  }
0x2a: {  	s29 =	simm.s32 $0x9;
	_ =	strace $0x80000048  }
0x2b: {  	_ =	swait.ge [sflag:s29], $0x1  }
0x2c: {  	[sflag:s29] =	ssyncadd.s32 $0xFFFFFFFF  }
0x2d: {  	_ =	strace $0x90000048  }
0x2e: {  	_ =	sfence  }
0x2f: {  	s30 =	sld [smem:$0x0];
	_ =	sdelay $0x2  }
0x30: {  	s31 =	sshll.u32 s1, $0xD;
	s1 =	sshrl.u32 s1, $0x2  }
0x31: {  	s3 =	sand.u32 $0x4000, s31;
	s1 =	sadd.s32 s1, s30  }
0x32: {  	s0 =	sor.u32 s3, s0;
	s1 =	sshll.u32 s1, $0x11  }
0x33: {  	s0 =	sor.u32 s1, s0  }
0x34: {  	s0 =	sadd.s32 $0x8F2B, s0  }
0x35: {  	[sflag:s0] =	ssyncadd.remote.s32 $0x1  }
0x36: {  	_ =	sfence.sel $0xFFFF  }
0x37: {  	[dreg:$0x0] =	wrdreg $0xFFFFFFFF;
	(pc) =	sbr.abs _section_cstart, $3  }
0x38: {  	[dreg:$0x1] =	wrdreg $0xFFFFFFFF  }
0x39: {  	_ =	task.clear_ibuf [dreg:s7], $0x2FFFF;
	_ =	strace $0x9FFFFFFF  }
0x3a: {  	(tm) =	ssettm $0x7FFFFFFF  }
0x3b: {  	_ =	shalt  }
tec
execute0_lowered:
.L_overlay_start_1:
0x0: {  	(tag) =	ssettag $0x1  }
0x1: {  	s2 =	rddreg [dreg:$0x0]  }
0x2: {  	s1 =	rddreg [dreg:$0x1]  }
0x3: {  	s0 =	rddreg [dreg:$0x2]  }
0x4: {  	s3 =	srdreg.scid;
	_ =	strace $0x80000047;
	s5 =	simm.s32 $0x1  }
0x5: {  	s7 =	simm.s32 $0x2;
	s15 =	simm.s32 $0x0;
	p0 =	por $0x0, $0x0  }
0x6: {  	s13 =	simm.s32 $0x0;
	s12 =	simm.s32 $0x0;
	s14 =	simm.s32 $0x0  }
.Ltmp0:
0x7: {  	s8 =	simm.s32 $0x0;
	s4 =	sshll.u32 s3, $0x4;
	(pc) =	sbr.rel .LBB1_1-.Ltmp0, $4  }
0x8: {  	s3 =	sadd.s32 $0x4200, s1;
	s1 =	stileid.u32;
	s4 =	sand.u32 $0x10, s4  }
0x9: {  	s10 =	simm.s32 $0x0;
	[sflag:s5] =	ssyncpa.u1 $0x0;
	s6 =	sor.u32 s1, s4  }
0xa: {  	[sflag:s7] =	ssyncpa.u1 $0x0;
	s4 =	sand.u32 $0x3, s1;
	s6 =	sshrl.u32 s6, $0x2  }
0xb: {  	s7 =	simm.s32 $0x0;
	s11 =	smov.u32 s4;
	s9 =	smov.u32 s6  }
.LBB1_5:
0xc: {  	s16 =	sadd.s32 $0x80, s8  }
0xd: {  	s12 =	sadd.s32 $0x8, s9;
	s17 =	smov.u32 s9;
	p2 =	sgt.s32 s16, $0x3FF  }
0xe: {  	s17 =	smov.u32 @p2 s12  }
0xf: {  	s18 =	smov.u32 s10;
	s12 =	sadd.s32 $0x80, s10;
	p3 =	sgt.s32 s17, $0x1F  }
0x10: {  	s18 =	smov.u32 @p3 s12  }
0x11: {  	s19 =	smov.u32 s11;
	s12 =	sadd.s32 $0x4, s11;
	p4 =	sgt.s32 s18, $0x7F  }
0x12: {  	p1 =	slt.u32 s7, $0x2;
	s19 =	smov.u32 @p4 s12  }
0x13: {  	s7 =	sadd.s32 $0x1, s7;
	s16 =	simm.s32 @p2 $0x0;
	p2 =	sgt.s32 s19, $0x3  }
0x14: {  	s15 =	smov.u32 s8;
	s19 =	smov.u32 @p2 s4;
	p2 =	sne.s32 s7, $0x22  }
.Ltmp1:
0x15: {  	s13 =	smov.u32 s9;
	s20 =	simm.s32 @!p1 $0x2;
	(pc) =	sbr.rel @!p2 .LBB1_6-.Ltmp1, $4  }
0x16: {  	s14 =	smov.u32 s11;
	p0 =	por !p0, !p0;
	_ =	swait.ge @!p1 [sflag:s20], $0x4000  }
0x17: {  	[sflag:s20] =	ssyncset.done @!p1 $0x0;
	s8 =	smov.u32 s16;
	s17 =	smov.u32 @p3 s6  }
0x18: {  	[sflag:s20] =	ssyncadd.s32 @!p1 $0xFFFFC000;
	s9 =	smov.u32 s17;
	s18 =	simm.s32 @p4 $0x0  }
0x19: {  	s12 =	smov.u32 s10;
	s10 =	smov.u32 s18;
	s11 =	smov.u32 s19  }
.LBB1_1:
0x1a: {  	p1 =	sgt.u32 s7, $0x1F  }
0x1b: {  	s16 =	sxor.u32 @!p1 $0xFFFFFFFF, s7;
	s17 =	sshll.u32 @!p1 s9, $0x7;
	s18 =	sand.u32 @!p1 $0x78, s8  }
0x1c: {  	s20 =	sshll.u32 @!p1 s10, $0xC;
	s16 =	sshll.u32 @!p1 s16, $0xE;
	s19 =	sand.u32 @!p1 $0x380, s17  }
0x1d: {  	s17 =	sand.u32 @!p1 $0xC00, s17;
	s18 =	sor.u32 @!p1 s18, s19;
	s19 =	sshll.u32 @!p1 s11, $0x13  }
0x1e: {  	s16 =	sand.u32 @!p1 $0x4000, s16;
	s17 =	sadd.s32 @!p1 s8, s17;
	s19 =	sadd.s32 @!p1 s2, s19  }
0x1f: {  	s18 =	sshrl.u32 @!p1 s18, $0x3;
	s19 =	sadd.s32 @!p1 s20, s19;
	s20 =	sand.u32 @!p1 $0x7, s8  }
0x20: {  	s17 =	sand.u32 @!p1 $0xF80, s17;
	s18 =	sadd.s32 @!p1 s18, s19;
	s19 =	sshll.u32 @!p1 s20, $0x12  }
0x21: {  	s17 =	sadd.s32 @!p1 s17, s18;
	s18 =	sor.u32 @!p1 $0x80, s19;
	s19 =	simm.s32 @!p1 $0x8000  }
0x22: {  	[tilespmem:s16], [sflag:$0x1] =	stream.strided.gather @!p1 [hbm4b:s17+s18], $0x4000, s19, s18, $0x38;
	[tilespmem:$0x10100] =	vst v63  }
0x23: {  	p1 =	seq.s32 s7, $0x0  }
0x24: {  	p2 =	seq.s32 @!p1 s7, $0x21  }
0x25: {  	p1 =	por p1, p2  }
.Ltmp2:
0x26: {  	_ = 	snop;
	(pc) =	sbr.rel @p1 .LBB1_5-.Ltmp2, $1  }
0x27: {  	_ =	sdelay $0x3  }
0x28: {  	s16 =	simm.s32 $0x1  }
0x29: {  	_ =	swait.ge [sflag:s5], $0x4000;
	s16 =	simm.s32 @!p0 $0x0  }
0x2a: {  	[sflag:s5] =	ssyncset.done $0x0;
	s17 =	sshll.u32 s16, $0xE  }
0x2b: {  	[sflag:s5] =	ssyncadd.s32 $0xFFFFC000;
	s18 =	sor.u32 $0x40, s17  }
0x2c: {  	s16 =	smul.u32 $0x10200, s16;
	v0 =	vld [tilespmem:s18+$0x30]  }
0x2d: {  	v3 =	vld [tilespmem:s18+$0xFFFFFFD0]  }
0x2e: {  	s16 =	sshrl.u32 s16, $0x2;
	v4 =	vld [tilespmem:s18+$0xFFFFFFE0]  }
0x2f: {  	v5 =	vld [tilespmem:s18+$0xFFFFFFF0];
	s17 =	sor.u32 $0x8000, s16  }
0x30: {  	s31 =	sand.u32 $0x1, s7;
	v1 =	vld [tilespmem:s18+$0x0];
	s19 =	sadd.s32 $0x0, s17  }
0x31: {  	v2 =	vld [tilespmem:s18+$0x10];
	s16 =	smul.u32 $0x10200, s31;
	[tilespmem:s19+$0x3870 ss:$0x81] =	vst.msk $0xffff, v0  }
0x32: {  	[tilespmem:s19+$0x810 ss:$0x81] =	vst.msk $0xffff, v3;
	v3 =	vld [tilespmem:s18+$0x20]  }
0x33: {  	s16 =	sshrl.u32 s16, $0x2;
	v0 =	vld [tilespmem:s18+$0xFFFFFFC0];
	[tilespmem:s19+$0x1020 ss:$0x81] =	vst.msk $0xffff, v4;
	s18 =	sadd.s32 $0x80, s18  }
0x34: {  	s20 =	simm.s32 $0x4;
	s21 =	simm.s32 $0x8;
	s16 =	sor.u32 $0x8000, s16;
	[tilespmem:s19+$0x1830 ss:$0x81] =	vst.msk $0xffff, v5;
	v4 =	vld [tilespmem:s18+$0x30]  }
.LBB1_3:
0x35: {  	p1 =	sne.s32 s21, $0x1FC;
	v5 =	vld [tilespmem:s18+$0xFFFFFFD0];
	[tilespmem:s19+$0x2040 ss:$0x81] =	vst.msk $0xffff, v1  }
0x36: {  	v6 =	vld [tilespmem:s18+$0xFFFFFFE0];
	[tilespmem:s19+$0x2850 ss:$0x81] =	vst.msk $0xffff, v2  }
0x37: {  	s22 =	sshra.s32 s20, $0x2;
	s20 =	smov.u32 s21;
	v7 =	vld [tilespmem:s18+$0xFFFFFFF0];
	[tilespmem:s19+$0x3060 ss:$0x81] =	vst.msk $0xffff, v3  }
.Ltmp3:
0x38: {  	v1 =	vld [tilespmem:s18+$0x0];
	[tilespmem:s19+$0x0 ss:$0x81] =	vst.msk $0xffff, v0;
	s19 =	sadd.s32 s22, s17;
	(pc) =	sbr.rel @p1 .LBB1_3-.Ltmp3, $4  }
0x39: {  	v2 =	vld [tilespmem:s18+$0x10];
	[tilespmem:s19+$0x3870 ss:$0x81] =	vst.msk $0xffff, v4  }
0x3a: {  	[tilespmem:s19+$0x810 ss:$0x81] =	vst.msk $0xffff, v5;
	v3 =	vld [tilespmem:s18+$0x20]  }
0x3b: {  	v0 =	vld [tilespmem:s18+$0xFFFFFFC0];
	[tilespmem:s19+$0x1020 ss:$0x81] =	vst.msk $0xffff, v6;
	s18 =	sadd.s32 $0x80, s18  }
0x3c: {  	s21 =	sadd.s32 $0x4, s21;
	v4 =	vld [tilespmem:s18+$0x30];
	[tilespmem:s19+$0x1830 ss:$0x81] =	vst.msk $0xffff, v7  }
0x3d: {  	v5 =	vld [tilespmem:s18+$0xFFFFFFD0];
	[tilespmem:s19+$0x2040 ss:$0x81] =	vst.msk $0xffff, v1  }
0x3e: {  	v58 =	vld [tilespmem:s18+$0xFFFFFFE0];
	[tilespmem:s19+$0x2850 ss:$0x81] =	vst.msk $0xffff, v2  }
0x3f: {  	s20 =	sshra.s32 s20, $0x2;
	v59 =	vld [tilespmem:s18+$0xFFFFFFF0];
	[tilespmem:s19+$0x3060 ss:$0x81] =	vst.msk $0xffff, v3  }
0x40: {  	v60 =	vld [tilespmem:s18+$0x0];
	s17 =	sadd.s32 s20, s17;
	[tilespmem:s19+$0x0 ss:$0x81] =	vst.msk $0xffff, v0  }
0x41: {  	v61 =	vld [tilespmem:s18+$0x10];
	[tilespmem:s17+$0x3870 ss:$0x81] =	vst.msk $0xffff, v4  }
0x42: {  	s15 =	sshll.u32 s15, $0x7;
	s26 =	sshll.u32 s12, $0x3;
	v62 =	vld [tilespmem:s18+$0x20];
	s14 =	sshll.u32 s14, $0x13;
	[tilespmem:s17+$0x810 ss:$0x81] =	vst.msk $0xffff, v5  }
0x43: {  	v63 =	vld [tilespmem:s18+$0xFFFFFFC0];
	s13 =	sshll.u32 s13, $0xE;
	s27 =	sand.u32 $0x1FC00, s15;
	s19 =	sand.u32 $0x1FC00, s26;
	[tilespmem:s17+$0x1020 ss:$0x81] =	vst.msk $0xffff, v58  }
0x44: {  	s29 =	sshrl.u32 s12, $0x3;
	s15 =	sand.u32 $0x380, s15;
	s28 =	sadd.s32 s19, s27;
	[tilespmem:s17+$0x1830 ss:$0x81] =	vst.msk $0xffff, v59  }
.Ltmp4:
0x45: {  	s14 =	sadd.s32 s3, s14;
	s15 =	sor.u32 s15, s28;
	[tilespmem:s17+$0x2040 ss:$0x81] =	vst.msk $0xffff, v60;
	(pc) =	sbr.rel .LBB1_5-.Ltmp4, $4  }
0x46: {  	s18 =	sand.u32 $0xF, s29;
	s13 =	sadd.s32 s13, s14;
	[tilespmem:s17+$0x2850 ss:$0x81] =	vst.msk $0xffff, v61;
	s15 =	sshrl.u32 s15, $0x3  }
0x47: {  	s13 =	sadd.s32 s18, s13;
	[tilespmem:s17+$0x3060 ss:$0x81] =	vst.msk $0xffff, v62;
	s30 =	sand.u32 $0x3FF0, s15  }
0x48: {  	s31 =	sand.u32 $0x7, s12;
	[tilespmem:s17+$0x0 ss:$0x81] =	vst.msk $0xffff, v63;
	s13 =	sadd.s32 s30, s13  }
0x49: {  	[hbm4b:s13+s31] =	stream.linear.scatter [tilespmem:s16], [sflag:$0x2], $0x4000, $0x20;
	[tilespmem:$0x10100] =	vst v63  }
.LBB1_6:
0x4a: {  	_ =	sfence.sel $0x180000  }
0x4b: {  	s2 =	simm.s32 $0x1;
	[bflag:$0x0] =	sbarrier.arrive $0xFFFF  }
0x4c: {  	s31 =	simm.s32 $0x2;
	[sflag:s2] =	ssyncpa.u1 $0x1  }
0x4d: {  	[sflag:s31] =	ssyncpa.u1 $0x1  }
0x4e: {  	p0 =	sne.s32 s1, $0x0;
	_ =	strace $0x90000047  }
0x4f: {  	s0 =	sadd.s32 @!p0 $0x100000, s0;
	[bflag:$0x2] =	sbarrier.arrive $0xFFFF  }
0x50: {  	[sflag:s0] =	ssyncadd.tile.s32 @!p0 $0x1;
	_ =	shalt  }
.Lfunc_end1:
_tile_overlayer_lowered:
.L_overlay_start_2:
0x51: {  	(tag) =	ssettag $0x2  }
0x52: {  	s0 =	rddreg [dreg:$0x0];
	s2 =	stileid.u32  }
0x53: {  	s1 =	rddreg [dreg:$0x1];
	p0 =	sne.s32 s2, $0x0  }
0x54: {  	s3 =	rddreg [dreg:$0x2];
	[bflag:$0x3] =	sbarrier.arrive $0xFFFF;
	s2 =	simm.s32 @!p0 $0x1C01  }
0x55: {  	[timem:s3], [sflag:s2] =	dma.local @!p0 [hbm:s0], s1  }
0x56: {  	s0 =	simm.s32 @!p0 $0x1  }
0x57: {  	_ =	swait.ge @!p0 [sflag:s0], s1  }
0x58: {  	s1 =	ssub.s32 @!p0 $0x0, s1;
	[sflag:s0] =	ssyncset.done @!p0 $0x0  }
0x59: {  	[sflag:s0] =	ssyncadd.s32 @!p0 s1  }
0x5a: {  	[bflag:$0x3] =	sbarrier.arrive $0xFFFF  }
0x5b: {  	_ =	shalt  }

// kernel: sparse-core-data-format-call.cloned.1.call-start
scs
called_computation_lowered:
.L_overlay_start_0:
0x0: {  	s2 =	sld [smem:$0x3FD9]  }
0x1: {  	s3 =	sld [smem:$0x3FFE];
	_ =	sdelay $0x1  }
0x2: {  	s1 =	srdreg.scid  }
0x3: {  	s0 =	sand.u32 $0x1, s1  }
0x4: {  	s18 =	sshll.u32 s0, $0xA;
	s2 =	sadd.s32 s3, s2  }
0x5: {  	s2 =	sadd.s32 s2, s18  }
0x6: {  	[smem:$0x3FC7] =	sst s2  }
0x7: {  	_ = 	snop  }
0x8: {  	s2 =	sld [smem:$0x3FD0];
	(tm) =	ssettm $0x1  }
0x9: {  	s19 =	sld [smem:$0x3FFB];
	_ =	sdelay $0x3  }
0xa: {  	_ =	strace s19  }
0xb: {  	s3 =	sld [smem:$0x3FFC];
	_ =	sdelay $0x3  }
0xc: {  	_ =	strace s3  }
0xd: {  	s3 =	sld [smem:$0x3FFD];
	_ =	sdelay $0x3  }
0xe: {  	_ =	strace s3  }
0xf: {  	_ =	strace $0x8FFFFFFF  }
0x10: {  	s20 =	sld [smem:$0x3FDB];
	_ =	sdelay $0x1  }
0x11: {  	s4 =	simm.s32 $_scs_section_size  }
0x12: {  	s5 =	simm.s32 $_size__tile_overlayer_lowered;
	s6 =	simm.s32 $_tile_overlayer_lowered  }
0x13: {  	s23 =	simm.s32 $0x1BFF;
	s22 =	sshll.u32 s6, $0x1;
	s3 =	sadd.s32 s4, s20  }
0x14: {  	s7 =	simm.s32 $0x0;
	s21 =	sshll.u32 s5, $0x1;
	s5 =	sadd.s32 s22, s3  }
0x15: {  	[timem:s7], [sflag:s23] =	dma.local [hbm:s5], s21  }
0x16: {  	_ =	swait.ge [sflag:s23], s21  }
0x17: {  	s4 =	ssub.s32 $0x0, s21;
	[sflag:s23] =	ssyncset.done $0x0  }
0x18: {  	[sflag:s23] =	ssyncadd.s32 s4;
	_ =	sdelay $0x1  }
0x19: {  	s24 =	simm.s32 $0x1B8B  }
0x1a: {  	_ =	swait.ge [sflag:s24], $0x1  }
0x1b: {  	[sflag:s24] =	ssyncset.done $0x0  }
0x1c: {  	s26 =	simm.s32 $0x1B8E;
	s25 =	sld [smem:$0x3FFE];
	[sflag:s24] =	ssyncadd.s32 $0xFFFFFFFF  }
0x1d: {  	s27 =	simm.s32 $execute0_lowered;
	[smem:$0x3FD2] =	sst s26  }
0x1e: {  	s5 =	sshll.u32 s27, $0x1;
	_ =	strace $0x8000004F;
	[dreg:$0x1] =	wrdreg $0xFFFFFFFF  }
0x1f: {  	s28 =	simm.s32 $_size_execute0_lowered;
	s3 =	sadd.s32 s3, s5;
	[dreg:$0x0] =	wrdreg $0x0  }
0x20: {  	s5 =	sshll.u32 s28, $0x1;
	[dreg:$0x2] =	wrdreg s3  }
0x21: {  	[dreg:$0x3] =	wrdreg s5  }
0x22: {  	[dreg:$0x4] =	wrdreg $0xC0  }
0x23: {  	_ =	task [dreg:s7], $0x5FFFF  }
0x24: {  	[dreg:$0x1] =	wrdreg $0xFFFFFFFF  }
0x25: {  	[dreg:$0x0] =	wrdreg $0x60  }
0x26: {  	[dreg:$0x2] =	wrdreg s25  }
0x27: {  	[dreg:$0x3] =	wrdreg s2  }
0x28: {  	[dreg:$0x4] =	wrdreg $0x9  }
0x29: {  	_ =	task.clear_ibuf [dreg:s7], $0x5FFFF;
	_ =	strace $0x9000004F  }
0x2a: {  	s29 =	simm.s32 $0x9;
	_ =	strace $0x80000051  }
0x2b: {  	_ =	swait.ge [sflag:s29], $0x1  }
0x2c: {  	[sflag:s29] =	ssyncadd.s32 $0xFFFFFFFF  }
0x2d: {  	_ =	strace $0x90000051  }
0x2e: {  	_ =	sfence  }
0x2f: {  	s30 =	sld [smem:$0x0];
	_ =	sdelay $0x2  }
0x30: {  	s31 =	sshll.u32 s1, $0xD;
	s1 =	sshrl.u32 s1, $0x2  }
0x31: {  	s3 =	sand.u32 $0x4000, s31;
	s1 =	sadd.s32 s1, s30  }
0x32: {  	s0 =	sor.u32 s3, s0;
	s1 =	sshll.u32 s1, $0x11  }
0x33: {  	s0 =	sor.u32 s1, s0  }
0x34: {  	s0 =	sadd.s32 $0x8F2B, s0  }
0x35: {  	[sflag:s0] =	ssyncadd.remote.s32 $0x1  }
0x36: {  	_ =	sfence.sel $0xFFFF  }
0x37: {  	[dreg:$0x0] =	wrdreg $0xFFFFFFFF;
	(pc) =	sbr.abs _section_cstart, $3  }
0x38: {  	[dreg:$0x1] =	wrdreg $0xFFFFFFFF  }
0x39: {  	_ =	task.clear_ibuf [dreg:s7], $0x2FFFF;
	_ =	strace $0x9FFFFFFF  }
0x3a: {  	(tm) =	ssettm $0x7FFFFFFF  }
0x3b: {  	_ =	shalt  }
tec
execute0_lowered:
.L_overlay_start_1:
0x0: {  	(tag) =	ssettag $0x1  }
0x1: {  	s0 =	stileid.u32;
	s4 =	rddreg [dreg:$0x0]  }
0x2: {  	s1 =	srdreg.scid;
	s3 =	rddreg [dreg:$0x1];
	s7 =	simm.s32 $0x1  }
0x3: {  	s31 =	simm.s32 $0x2;
	s2 =	sshll.u32 s0, $0x5;
	s1 =	sshll.u32 s1, $0x9  }
0x4: {  	s15 =	simm.s32 $0x0;
	s9 =	simm.s32 $0x2000;
	s1 =	sor.u32 s2, s1  }
0x5: {  	s14 =	simm.s32 $0x0;
	s16 =	simm.s32 $0x0;
	s2 =	sand.u32 $0x380, s1  }
0x6: {  	s10 =	simm.s32 $0x0;
	s13 =	simm.s32 $0x0;
	s5 =	ssub.s32 $0x400, s2  }
0x7: {  	s4 =	sadd.s32 $0x404200, s4;
	s1 =	rddreg [dreg:$0x2];
	s6 =	sand.u32 $0x380, s5  }
.Ltmp0:
0x8: {  	_ =	strace $0x80000050;
	p0 =	sne.s32 s6, $0x0;
	(pc) =	sbr.rel .LBB1_1-.Ltmp0, $4  }
0x9: {  	s11 =	smov.u32 s2;
	s8 =	sshrl.u32 s5, $0xA;
	s7 =	simm.s32 @!p0 $0x0  }
0xa: {  	s5 =	sand.u32 $0x3, s0;
	s6 =	simm.s32 $0x1;
	s7 =	sadd.s32 s7, s8  }
0xb: {  	s12 =	smov.u32 s5;
	[sflag:s6] =	ssyncpa.u1 $0x0;
	s7 =	sshll.u32 s7, $0x5  }
0xc: {  	p0 =	por $0x0, $0x0;
	[sflag:s31] =	ssyncpa.u1 $0x0;
	s8 =	sor.u32 $0x1, s7  }
.LBB1_4:
0xd: {  	v5 =	vld [tilespmem:s20+$0xFFFFFFD0];
	[tilespmem:s19+$0x2040 ss:$0x81] =	vst.msk $0xffff, v1  }
0xe: {  	v58 =	vld [tilespmem:s20+$0xFFFFFFE0];
	[tilespmem:s19+$0x2850 ss:$0x81] =	vst.msk $0xffff, v2  }
0xf: {  	s21 =	sshra.s32 s21, $0x2;
	v59 =	vld [tilespmem:s20+$0xFFFFFFF0];
	[tilespmem:s19+$0x3060 ss:$0x81] =	vst.msk $0xffff, v3  }
0x10: {  	v60 =	vld [tilespmem:s20+$0x0];
	[tilespmem:s19+$0x0 ss:$0x81] =	vst.msk $0xffff, v0;
	s18 =	sadd.s32 s21, s18  }
0x11: {  	v61 =	vld [tilespmem:s20+$0x10];
	[tilespmem:s18+$0x3870 ss:$0x81] =	vst.msk $0xffff, v4  }
0x12: {  	v62 =	vld [tilespmem:s20+$0x20];
	[tilespmem:s18+$0x810 ss:$0x81] =	vst.msk $0xffff, v5  }
0x13: {  	v63 =	vld [tilespmem:s20+$0xFFFFFFC0];
	[tilespmem:s18+$0x1020 ss:$0x81] =	vst.msk $0xffff, v58  }
0x14: {  	s16 =	sshll.u32 s16, $0x13;
	[tilespmem:s18+$0x1830 ss:$0x81] =	vst.msk $0xffff, v59  }
0x15: {  	s28 =	sand.u32 $0x3F80, s14;
	s15 =	sshll.u32 s15, $0xE;
	s16 =	sadd.s32 s3, s16;
	[tilespmem:s18+$0x2040 ss:$0x81] =	vst.msk $0xffff, v60  }
0x16: {  	s29 =	sshrl.u32 s14, $0x3;
	s30 =	sand.u32 $0x7, s14;
	s16 =	sadd.s32 s28, s16;
	[tilespmem:s18+$0x2850 ss:$0x81] =	vst.msk $0xffff, v61  }
0x17: {  	s31 =	sand.u32 $0xF, s29;
	s14 =	sshll.u32 s30, $0x12;
	s15 =	sadd.s32 s15, s16;
	[tilespmem:s18+$0x3060 ss:$0x81] =	vst.msk $0xffff, v62  }
0x18: {  	s14 =	sor.u32 $0x400, s14;
	s15 =	sadd.s32 s31, s15;
	[tilespmem:s18+$0x0 ss:$0x81] =	vst.msk $0xffff, v63  }
0x19: {  	[hbm4b:s15+s14] =	stream.strided.scatter [tilespmem:s17], [sflag:$0x2], $0x4000, s9, s14, $0x20;
	[tilespmem:$0x10100] =	vst v63  }
.LBB1_5:
0x1a: {  	s17 =	sadd.s32 $0x1, s10  }
0x1b: {  	s14 =	sadd.s32 $0x400, s11;
	s18 =	smov.u32 s11;
	p2 =	sgt.s32 s17, $0x1F  }
0x1c: {  	s18 =	smov.u32 @p2 s14  }
0x1d: {  	s20 =	smov.u32 s12;
	s14 =	sadd.s32 $0x4, s12;
	p3 =	sgt.s32 s18, $0x3FF  }
0x1e: {  	s20 =	smov.u32 @p3 s14  }
0x1f: {  	s17 =	simm.s32 @p2 $0x0;
	p2 =	sgt.s32 s20, $0x3  }
0x20: {  	p1 =	slt.u32 s13, $0x2;
	s20 =	smov.u32 @p2 s5;
	p2 =	sne.s32 s13, s8  }
.Ltmp1:
0x21: {  	s19 =	simm.s32 @!p1 $0x2;
	(pc) =	sbr.rel @!p2 .LBB1_6-.Ltmp1, $4  }
0x22: {  	s15 =	smov.u32 s10;
	s16 =	smov.u32 s12;
	_ =	swait.ge @!p1 [sflag:s19], $0x4000  }
0x23: {  	p0 =	por !p0, !p0;
	[sflag:s19] =	ssyncset.done @!p1 $0x0;
	s10 =	smov.u32 s17  }
0x24: {  	s18 =	smov.u32 @p3 s2;
	s14 =	smov.u32 s11;
	[sflag:s19] =	ssyncadd.s32 @!p1 $0xFFFFC000  }
0x25: {  	s11 =	smov.u32 s18;
	s13 =	sadd.s32 $0x1, s13;
	s12 =	smov.u32 s20  }
.LBB1_1:
0x26: {  	p1 =	sge.u32 s13, s7;
	s31 =	sadd.s32 $0xFFFFFFFF, s13  }
0x27: {  	s17 =	sxor.u32 @!p1 $0xFFFFFFFF, s13;
	s18 =	sshll.u32 @!p1 s12, $0x13;
	s19 =	sshll.u32 @!p1 s11, $0x9  }
0x28: {  	s20 =	sshll.u32 @!p1 s10, $0x4;
	s17 =	sshll.u32 @!p1 s17, $0xE;
	s18 =	sadd.s32 @!p1 s4, s18  }
0x29: {  	s20 =	sand.u32 @!p1 $0x1F0, s20;
	s17 =	sand.u32 @!p1 $0x4000, s17;
	s18 =	sadd.s32 @!p1 s19, s18  }
0x2a: {  	s19 =	simm.s32 @!p1 $0x80;
	s18 =	sadd.s32 @!p1 s20, s18;
	s20 =	simm.s32 @!p1 $0x1000  }
0x2b: {  	[tilespmem:s17], [sflag:$0x1] =	stream.strided.gather @!p1 [hbm4b:s18+s19], $0x4000, s20, s19, $0x38;
	[tilespmem:$0x10100] =	vst v63  }
0x2c: {  	p1 =	sge.u32 s31, s7  }
.Ltmp2:
0x2d: {  	_ = 	snop;
	(pc) =	sbr.rel @p1 .LBB1_5-.Ltmp2, $1  }
0x2e: {  	_ =	sdelay $0x3  }
0x2f: {  	s17 =	simm.s32 $0x1  }
0x30: {  	_ =	swait.ge [sflag:s6], $0x4000;
	s17 =	simm.s32 @!p0 $0x0  }
0x31: {  	[sflag:s6] =	ssyncset.done $0x0;
	s18 =	sshll.u32 s17, $0xE  }
0x32: {  	[sflag:s6] =	ssyncadd.s32 $0xFFFFC000;
	s20 =	sor.u32 $0x40, s18  }
0x33: {  	s17 =	smul.u32 $0x10200, s17;
	v0 =	vld [tilespmem:s20+$0x30]  }
0x34: {  	v3 =	vld [tilespmem:s20+$0xFFFFFFD0]  }
0x35: {  	s17 =	sshrl.u32 s17, $0x2;
	v4 =	vld [tilespmem:s20+$0xFFFFFFE0]  }
0x36: {  	v5 =	vld [tilespmem:s20+$0xFFFFFFF0];
	s18 =	sor.u32 $0x8000, s17  }
0x37: {  	s31 =	sand.u32 $0x1, s13;
	v1 =	vld [tilespmem:s20+$0x0];
	s19 =	sadd.s32 $0x0, s18  }
0x38: {  	v2 =	vld [tilespmem:s20+$0x10];
	s17 =	smul.u32 $0x10200, s31;
	[tilespmem:s19+$0x3870 ss:$0x81] =	vst.msk $0xffff, v0  }
0x39: {  	[tilespmem:s19+$0x810 ss:$0x81] =	vst.msk $0xffff, v3;
	v3 =	vld [tilespmem:s20+$0x20]  }
0x3a: {  	s17 =	sshrl.u32 s17, $0x2;
	v0 =	vld [tilespmem:s20+$0xFFFFFFC0];
	[tilespmem:s19+$0x1020 ss:$0x81] =	vst.msk $0xffff, v4;
	s20 =	sadd.s32 $0x80, s20  }
0x3b: {  	s21 =	simm.s32 $0x4;
	s22 =	simm.s32 $0x8;
	s17 =	sor.u32 $0x8000, s17;
	[tilespmem:s19+$0x1830 ss:$0x81] =	vst.msk $0xffff, v5;
	v4 =	vld [tilespmem:s20+$0x30]  }
.LBB1_3:
0x3c: {  	p1 =	sne.s32 s22, $0x1FC;
	v5 =	vld [tilespmem:s20+$0xFFFFFFD0];
	[tilespmem:s19+$0x2040 ss:$0x81] =	vst.msk $0xffff, v1  }
0x3d: {  	v6 =	vld [tilespmem:s20+$0xFFFFFFE0];
	[tilespmem:s19+$0x2850 ss:$0x81] =	vst.msk $0xffff, v2  }
0x3e: {  	s23 =	sshra.s32 s21, $0x2;
	s21 =	smov.u32 s22;
	v7 =	vld [tilespmem:s20+$0xFFFFFFF0];
	[tilespmem:s19+$0x3060 ss:$0x81] =	vst.msk $0xffff, v3  }
.Ltmp3:
0x3f: {  	v1 =	vld [tilespmem:s20+$0x0];
	[tilespmem:s19+$0x0 ss:$0x81] =	vst.msk $0xffff, v0;
	s19 =	sadd.s32 s23, s18;
	(pc) =	sbr.rel @p1 .LBB1_3-.Ltmp3, $4  }
0x40: {  	v2 =	vld [tilespmem:s20+$0x10];
	[tilespmem:s19+$0x3870 ss:$0x81] =	vst.msk $0xffff, v4  }
0x41: {  	[tilespmem:s19+$0x810 ss:$0x81] =	vst.msk $0xffff, v5;
	v3 =	vld [tilespmem:s20+$0x20]  }
0x42: {  	v0 =	vld [tilespmem:s20+$0xFFFFFFC0];
	[tilespmem:s19+$0x1020 ss:$0x81] =	vst.msk $0xffff, v6;
	s20 =	sadd.s32 $0x80, s20  }
0x43: {  	s22 =	sadd.s32 $0x4, s22;
	v4 =	vld [tilespmem:s20+$0x30];
	[tilespmem:s19+$0x1830 ss:$0x81] =	vst.msk $0xffff, v7  }
.Ltmp4:
0x44: {  	_ = 	snop;
	(pc) =	sbr.rel .LBB1_4-.Ltmp4, $1  }
0x45: {  	_ =	sdelay $0x3  }
.LBB1_6:
0x46: {  	_ =	sfence.sel $0x180000  }
0x47: {  	s2 =	simm.s32 $0x1;
	[bflag:$0x0] =	sbarrier.arrive $0xFFFF  }
0x48: {  	s31 =	simm.s32 $0x2;
	[sflag:s2] =	ssyncpa.u1 $0x1  }
0x49: {  	[sflag:s31] =	ssyncpa.u1 $0x1  }
0x4a: {  	p0 =	sne.s32 s0, $0x0;
	_ =	strace $0x90000050  }
0x4b: {  	s0 =	sadd.s32 @!p0 $0x100000, s1;
	[bflag:$0x2] =	sbarrier.arrive $0xFFFF  }
0x4c: {  	[sflag:s0] =	ssyncadd.tile.s32 @!p0 $0x1;
	_ =	shalt  }
.Lfunc_end1:
_tile_overlayer_lowered:
.L_overlay_start_2:
0x4d: {  	(tag) =	ssettag $0x2  }
0x4e: {  	s0 =	rddreg [dreg:$0x0];
	s2 =	stileid.u32  }
0x4f: {  	s1 =	rddreg [dreg:$0x1];
	p0 =	sne.s32 s2, $0x0  }
0x50: {  	s3 =	rddreg [dreg:$0x2];
	[bflag:$0x3] =	sbarrier.arrive $0xFFFF;
	s2 =	simm.s32 @!p0 $0x1C01  }
0x51: {  	[timem:s3], [sflag:s2] =	dma.local @!p0 [hbm:s0], s1  }
0x52: {  	s0 =	simm.s32 @!p0 $0x1  }
0x53: {  	_ =	swait.ge @!p0 [sflag:s0], s1  }
0x54: {  	s1 =	ssub.s32 @!p0 $0x0, s1;
	[sflag:s0] =	ssyncset.done @!p0 $0x0  }
0x55: {  	[sflag:s0] =	ssyncadd.s32 @!p0 s1  }
0x56: {  	[bflag:$0x3] =	sbarrier.arrive $0xFFFF  }
0x57: {  	_ =	shalt  }

</sc_bundles>
